<compile_context>
chip_gen: v7x
topology: tpu7x:2x2x1
jax: 0.10.2.dev20260603
libtpu: 0.0.44.dev20260713+nightly
codegen_flags: <defaults>
</compile_context>

<pallas_src>
import functools

import jax
import jax.numpy as jnp
from jax import lax
from jax.experimental import pallas as pl
from jax.experimental.pallas import tpu as pltpu
from jax.experimental.pallas import tpu_sc as plsc

QN = 1024
KN = 16384
DN = 256
CN = 1000
CP = 1024
TOP = 5
KB = 4096
NB = KN // KB

_INF = float("inf")
_BIGI = 2**30


def _topk_body(x_ref, a_ref, w_ref, ix_ref, vals, idxs):
    k = pl.program_id(0)

    @pl.when(k == 0)
    def _init():
        vals[...] = jnp.full((16, QN), _INF, jnp.float32)
        idxs[...] = jnp.zeros((16, QN), jnp.int32)

    a = a_ref[...]
    x = x_ref[...]
    a2 = jnp.sum(a * a, axis=1, keepdims=True)
    dot = lax.dot_general(a, x, (((1,), (1,)), ((), ())),
                          preferred_element_type=jnp.float32)
    s = a2 - 2.0 * dot

    riota = lax.broadcasted_iota(jnp.int32, (KB, QN), 0)
    for j in range(TOP):
        m = jnp.min(s, axis=0, keepdims=True)
        p = jnp.min(jnp.where(s == m, riota, _BIGI), axis=0, keepdims=True)
        vals[pl.ds(TOP + j, 1), :] = m
        idxs[pl.ds(TOP + j, 1), :] = p + k * KB
        if j < TOP - 1:
            s = jnp.where(s == m, _INF, s)

    v = vals[...]
    ix = idxs[...]
    r16 = lax.broadcasted_iota(jnp.int32, (16, QN), 0)
    nv, ni = [], []
    for j in range(TOP):
        m = jnp.min(v, axis=0, keepdims=True)
        p = jnp.min(jnp.where(v == m, r16, _BIGI), axis=0, keepdims=True)
        sel = r16 == p
        ni.append(jnp.min(jnp.where(sel, ix, _BIGI), axis=0, keepdims=True))
        nv.append(m)
        v = jnp.where(sel, _INF, v)
    vals[...] = jnp.concatenate(nv + [jnp.full((16 - TOP, QN), _INF, jnp.float32)], axis=0)
    idxs[...] = jnp.concatenate(ni + [jnp.zeros((16 - TOP, QN), jnp.int32)], axis=0)

    @pl.when(k == NB - 1)
    def _fin():
        b2 = jnp.sum(x * x, axis=1)[None, :]
        vv = vals[pl.ds(0, 8), :]
        d2 = jnp.maximum(vv + b2, 0.0)
        w_ref[...] = 1.0 / jnp.sqrt(d2)
        ix_ref[...] = idxs[pl.ds(0, 8), :]


def _topk_stage(X, clusters):
    return pl.pallas_call(
        _topk_body,
        grid=(NB,),
        in_specs=[
            pl.BlockSpec((QN, DN), lambda k: (0, 0)),
            pl.BlockSpec((KB, DN), lambda k: (k, 0)),
        ],
        out_specs=[
            pl.BlockSpec((8, QN), lambda k: (0, 0)),
            pl.BlockSpec((8, QN), lambda k: (0, 0)),
        ],
        out_shape=[
            jax.ShapeDtypeStruct((8, QN), jnp.float32),
            jax.ShapeDtypeStruct((8, QN), jnp.int32),
        ],
        scratch_shapes=[
            pltpu.VMEM((16, QN), jnp.float32),
            pltpu.VMEM((16, QN), jnp.int32),
        ],
    )(X, clusters)


_NC = 2
_NS = 16
_NW = _NC * _NS
_QPW = QN // _NW
_NG = QN // 16


def _scatter_sc_body(w_hbm, ix_hbm, labels_hbm, counts_hbm, out_hbm,
                     labels_v, counts_v, w_v, i_v, rows_v):
    wid = lax.axis_index("s") * _NC + lax.axis_index("c")
    pltpu.sync_copy(labels_hbm, labels_v)
    pltpu.sync_copy(counts_hbm, counts_v.at[pl.ds(0, CN)])
    pltpu.sync_copy(w_hbm, w_v)
    pltpu.sync_copy(ix_hbm, i_v)
    lane = lax.iota(jnp.int32, 16)
    for g in range(_QPW // 16):
        gidx = wid * (_QPW // 16) + g
        qb = gidx * 16

        def _base(c, carry):
            off = jnp.minimum(c * 16, CN - 16)
            cv = counts_v[pl.ds(off, 16)]
            bv = jnp.where(cv == 0.0, jnp.float32(-1.0), jnp.float32(0.0))
            for r in range(16):
                rows_v[r, pl.ds(off, 16)] = bv
            return carry

        lax.fori_loop(0, (CN + 15) // 16, _base, 0)
        for j in range(TOP):
            lbl = plsc.load_gather(labels_v, [i_v[j, pl.ds(qb, 16)]])
            cnt = plsc.load_gather(counts_v, [lbl])
            plsc.addupdate_scatter(rows_v, [lane, lbl],
                                   w_v[j, pl.ds(qb, 16)] * cnt)
        pltpu.sync_copy(rows_v, out_hbm.at[pl.ds(qb, 16), :])


@functools.cache
def _scatter_sc():
    return functools.partial(
        pl.kernel,
        mesh=plsc.VectorSubcoreMesh(core_axis_name="c", subcore_axis_name="s"),
        out_type=jax.ShapeDtypeStruct((QN, CN), jnp.float32),
        scratch_types=[
            pltpu.VMEM((KN,), jnp.int32),
            pltpu.VMEM((CP,), jnp.float32),
            pltpu.VMEM((8, QN), jnp.float32),
            pltpu.VMEM((8, QN), jnp.int32),
            pltpu.VMEM((16, CN), jnp.float32),
        ],
        compiler_params=pltpu.CompilerParams(needs_layout_passes=False),
    )(_scatter_sc_body)


def kernel(X, clusters, counts, labels):
    wT, ixT = _topk_stage(X, clusters)
    return _scatter_sc()(wT, ixT, labels, counts)

# --- scband reference (transcript-rebuilt; emitter-appended) ---
"""Pipeline reference for scband-cbcl-38285338476762 (READ-ONLY COPY).

The authoritative reference and input builder live on the scoring server;
editing this copy changes nothing except your own understanding.
"""

import jax, jax.numpy as jnp
import numpy as np

Q = 1024
K = 16384
D = 256
C = 1000
TOPK = 5


def setup_inputs(seed: int = 0) -> dict:
    key = jax.random.key(seed)
    k1, k2, k3, k4 = jax.random.split(key, 4)
    X = jax.random.normal(k1, (Q, D), dtype=jnp.float32)
    clusters = jax.random.normal(k2, (K, D), dtype=jnp.float32)
    counts = jax.random.randint(k3, (C,), 0, 10).astype(jnp.float32)
    labels = jax.random.randint(k4, (K,), 0, C).astype(jnp.int32)
    return {"X": X, "clusters": clusters, "counts": counts, "labels": labels}


def _cdist(B, A):
    # torch.cdist(B, A): [M, N] L2 distances, via expansion (avoids M*N*D temp)
    b2 = jnp.sum(B * B, axis=1, keepdims=True)          # [M, 1]
    a2 = jnp.sum(A * A, axis=1, keepdims=True).T        # [1, N]
    d2 = b2 + a2 - 2.0 * (B @ A.T)
    return jnp.sqrt(jnp.maximum(d2, 0.0))


def reference(X, clusters, counts, labels):
    mb_size = X.shape[0]
    k = min(TOPK, clusters.shape[0])
    dist_mat = _cdist(X, clusters)                      # [Q, K]
    neg_topk_dists, topk_ixs = jax.lax.top_k(-dist_mat, k)
    topk_dists = -neg_topk_dists                        # [Q, k]
    topk_dists = 1.0 / topk_dists
    topk_ixs_flat = topk_ixs.reshape(mb_size * k)
    labels_ixs = labels[topk_ixs_flat].reshape(mb_size, k)  # [Q, k]
    expanded_dists = jnp.broadcast_to(topk_dists[:, :, None], (mb_size, k, C))
    one_hot = jax.nn.one_hot(labels_ixs, C, dtype=jnp.float32)  # [Q, k, C]
    scores = jnp.sum(expanded_dists * one_hot, axis=1)  # [Q, C]
    # weighted_pred=True
    scores = scores * counts[None, :]
    not_visited = (counts == 0)[None, :]
    min_col = jnp.min(scores, axis=1) - 1.0             # [Q]
    scores = jnp.where(not_visited, min_col[:, None], scores)
    return scores

if __name__ == "__main__":
    import jax
    _d = setup_inputs()
    print(jax.jit(kernel)(*tuple(_d.values())))

</pallas_src>

<mosaic_0001>
#map = affine_map<(d0, d1) -> (0, 0)>
#map1 = affine_map<(d0, d1) -> (0)>
module attributes {stable_mosaic.version = 14 : i64} {
  func.func @_scatter_sc_body(%arg0: i32, %arg1: i32, %arg2: memref<8x1024xf32, #tpu.memory_space<hbm>>, %arg3: memref<8x1024xi32, #tpu.memory_space<hbm>>, %arg4: memref<16384xi32, #tpu.memory_space<hbm>>, %arg5: memref<1000xf32, #tpu.memory_space<hbm>>, %arg6: memref<1024x1000xf32, #tpu.memory_space<hbm>>, %arg7: memref<16384xi32, #tpu.memory_space<vmem>>, %arg8: memref<1024xf32, #tpu.memory_space<vmem>>, %arg9: memref<8x1024xf32, #tpu.memory_space<vmem>>, %arg10: memref<8x1024xi32, #tpu.memory_space<vmem>>, %arg11: memref<16x1000xf32, #tpu.memory_space<vmem>>) attributes {dimension_semantics = [#tpu.dimension_semantics<core_parallel>, #tpu.dimension_semantics<subcore_parallel>], iteration_bounds = array<i64: 2, 16>, scalar_prefetch = 0 : i64, scratch_operands = 5 : i64, tpu.core_type = #tpu.core_type<sc_vector_subcore>, window_params = [{transform_indices = #map}, {transform_indices = #map}, {transform_indices = #map1}, {transform_indices = #map1}, {transform_indices = #map}]} {
    %mul3A = arith.constant 2 : i32
    %mul3A_0 = arith.muli %arg1, %mul3A : i32
    %add3A = arith.addi %mul3A_0, %arg0 : i32
    "tpu.region"() ({
      %run_scoped3A = tpu.sem_alloc : memref<!tpu.dma_semaphore, #tpu.memory_space<semaphore_mem>>
      tpu.enqueue_dma source(%arg4 : memref<16384xi32, #tpu.memory_space<hbm>>) target(%arg7 : memref<16384xi32, #tpu.memory_space<vmem>>) target_semaphore(%run_scoped3A : memref<!tpu.dma_semaphore, #tpu.memory_space<semaphore_mem>>)
      tpu.wait_dma2 semaphore(%run_scoped3A : memref<!tpu.dma_semaphore, #tpu.memory_space<semaphore_mem>>) src(%arg4 : memref<16384xi32, #tpu.memory_space<hbm>>) dst(%arg7 : memref<16384xi32, #tpu.memory_space<vmem>>)
      tpu.yield
    }) : () -> ()
    "tpu.region"() ({
      %run_scoped3A = tpu.sem_alloc : memref<!tpu.dma_semaphore, #tpu.memory_space<semaphore_mem>>
      %dma_start3A = arith.constant 0 : i32
      %dma_start3A_132 = tpu.memref_slice %arg8[%dma_start3A] : memref<1024xf32, #tpu.memory_space<vmem>> -> memref<1000xf32, #tpu.memory_space<vmem>>
      %dma_start3A_133 = arith.constant 0 : i32
      %dma_start3A_134 = tpu.memref_slice %arg8[%dma_start3A_133] : memref<1024xf32, #tpu.memory_space<vmem>> -> memref<1000xf32, #tpu.memory_space<vmem>>
      tpu.enqueue_dma source(%arg5 : memref<1000xf32, #tpu.memory_space<hbm>>) target(%dma_start3A_134 : memref<1000xf32, #tpu.memory_space<vmem>>) target_semaphore(%run_scoped3A : memref<!tpu.dma_semaphore, #tpu.memory_space<semaphore_mem>>)
      %dma_wait3A = arith.constant 0 : i32
      %dma_wait3A_135 = tpu.memref_slice %arg8[%dma_wait3A] : memref<1024xf32, #tpu.memory_space<vmem>> -> memref<1000xf32, #tpu.memory_space<vmem>>
      %dma_wait3A_136 = arith.constant 0 : i32
      %dma_wait3A_137 = tpu.memref_slice %arg8[%dma_wait3A_136] : memref<1024xf32, #tpu.memory_space<vmem>> -> memref<1000xf32, #tpu.memory_space<vmem>>
      tpu.wait_dma2 semaphore(%run_scoped3A : memref<!tpu.dma_semaphore, #tpu.memory_space<semaphore_mem>>) src(%arg5 : memref<1000xf32, #tpu.memory_space<hbm>>) dst(%dma_wait3A_137 : memref<1000xf32, #tpu.memory_space<vmem>>)
      tpu.yield
    }) : () -> ()
    "tpu.region"() ({
      %run_scoped3A = tpu.sem_alloc : memref<!tpu.dma_semaphore, #tpu.memory_space<semaphore_mem>>
      tpu.enqueue_dma source(%arg2 : memref<8x1024xf32, #tpu.memory_space<hbm>>) target(%arg9 : memref<8x1024xf32, #tpu.memory_space<vmem>>) target_semaphore(%run_scoped3A : memref<!tpu.dma_semaphore, #tpu.memory_space<semaphore_mem>>)
      tpu.wait_dma2 semaphore(%run_scoped3A : memref<!tpu.dma_semaphore, #tpu.memory_space<semaphore_mem>>) src(%arg2 : memref<8x1024xf32, #tpu.memory_space<hbm>>) dst(%arg9 : memref<8x1024xf32, #tpu.memory_space<vmem>>)
      tpu.yield
    }) : () -> ()
    "tpu.region"() ({
      %run_scoped3A = tpu.sem_alloc : memref<!tpu.dma_semaphore, #tpu.memory_space<semaphore_mem>>
      tpu.enqueue_dma source(%arg3 : memref<8x1024xi32, #tpu.memory_space<hbm>>) target(%arg10 : memref<8x1024xi32, #tpu.memory_space<vmem>>) target_semaphore(%run_scoped3A : memref<!tpu.dma_semaphore, #tpu.memory_space<semaphore_mem>>)
      tpu.wait_dma2 semaphore(%run_scoped3A : memref<!tpu.dma_semaphore, #tpu.memory_space<semaphore_mem>>) src(%arg3 : memref<8x1024xi32, #tpu.memory_space<hbm>>) dst(%arg10 : memref<8x1024xi32, #tpu.memory_space<vmem>>)
      tpu.yield
    }) : () -> ()
    %iota3A = tpu.iota {dimensions = array<i32: 0>} : vector<16xi32>
    %mul3A_1 = arith.constant 2 : i32
    %mul3A_2 = arith.muli %add3A, %mul3A_1 : i32
    %add3A_3 = arith.constant 0 : i32
    %add3A_4 = arith.addi %mul3A_2, %add3A_3 : i32
    %mul3A_5 = arith.constant 16 : i32
    %mul3A_6 = arith.muli %add3A_4, %mul3A_5 : i32
    %scan3A = arith.constant 0 : i32
    %scan3A_7 = arith.constant 0 : i32
    %scan3A_8 = arith.constant 63 : i32
    %scan3A_9 = arith.addi %scan3A_7, %scan3A_8 : i32
    %scan3A_10 = arith.constant 1 : i32
    scf.for %scan3A_132 = %scan3A_7 to %scan3A_9 step %scan3A_10  : i32 {
      %mul3A_133 = arith.constant 16 : i32
      %mul3A_134 = arith.muli %scan3A_132, %mul3A_133 : i32
      %min3A = arith.constant 984 : i32
      %min3A_135 = arith.minsi %mul3A_134, %min3A : i32
      %get3A_136 = arith.index_cast %min3A_135 : i32 to index
      %get3A_137 = tpu.vector_load %arg8[%get3A_136] {strides = array<i32>} : memref<1024xf32, #tpu.memory_space<vmem>>, vector<16xf32>,
      %eq3A = arith.constant 0.000000e+00 : f32
      %eq3A_138 = vector.broadcast %eq3A : f32 to vector<16xf32>
      %eq3A_139 = arith.cmpf oeq, %get3A_137, %eq3A_138 : vector<16xf32>
      %jit3A = arith.constant -1.000000e+00 : f32
      %jit3A_140 = arith.constant 0.000000e+00 : f32
      %broadcast_in_dim3A = vector.broadcast %jit3A : f32 to vector<16xf32>
      %broadcast_in_dim3A_141 = vector.broadcast %jit3A_140 : f32 to vector<16xf32>
      %select_n3A = arith.select %eq3A_139, %broadcast_in_dim3A, %broadcast_in_dim3A_141 : vector<16xi1>, vector<16xf32>
      %swap3A = arith.constant 0 : i32
      %swap3A_142 = arith.index_cast %swap3A : i32 to index
      %swap3A_143 = arith.index_cast %min3A_135 : i32 to index
      %swap3A_144 = tpu.vector_load %arg11[%swap3A_142, %swap3A_143] {strides = array<i32>} : memref<16x1000xf32, #tpu.memory_space<vmem>>, vector<16xf32>,
      tpu.vector_store %arg11[%swap3A_142, %swap3A_143], %select_n3A {strides = array<i32>} : memref<16x1000xf32, #tpu.memory_space<vmem>>, vector<16xf32>,
      %swap3A_145 = arith.constant 1 : i32
      %swap3A_146 = arith.index_cast %swap3A_145 : i32 to index
      %swap3A_147 = arith.index_cast %min3A_135 : i32 to index
      %swap3A_148 = tpu.vector_load %arg11[%swap3A_146, %swap3A_147] {strides = array<i32>} : memref<16x1000xf32, #tpu.memory_space<vmem>>, vector<16xf32>,
      tpu.vector_store %arg11[%swap3A_146, %swap3A_147], %select_n3A {strides = array<i32>} : memref<16x1000xf32, #tpu.memory_space<vmem>>, vector<16xf32>,
      %swap3A_149 = arith.constant 2 : i32
      %swap3A_150 = arith.index_cast %swap3A_149 : i32 to index
      %swap3A_151 = arith.index_cast %min3A_135 : i32 to index
      %swap3A_152 = tpu.vector_load %arg11[%swap3A_150, %swap3A_151] {strides = array<i32>} : memref<16x1000xf32, #tpu.memory_space<vmem>>, vector<16xf32>,
      tpu.vector_store %arg11[%swap3A_150, %swap3A_151], %select_n3A {strides = array<i32>} : memref<16x1000xf32, #tpu.memory_space<vmem>>, vector<16xf32>,
      %swap3A_153 = arith.constant 3 : i32
      %swap3A_154 = arith.index_cast %swap3A_153 : i32 to index
      %swap3A_155 = arith.index_cast %min3A_135 : i32 to index
      %swap3A_156 = tpu.vector_load %arg11[%swap3A_154, %swap3A_155] {strides = array<i32>} : memref<16x1000xf32, #tpu.memory_space<vmem>>, vector<16xf32>,
      tpu.vector_store %arg11[%swap3A_154, %swap3A_155], %select_n3A {strides = array<i32>} : memref<16x1000xf32, #tpu.memory_space<vmem>>, vector<16xf32>,
      %swap3A_157 = arith.constant 4 : i32
      %swap3A_158 = arith.index_cast %swap3A_157 : i32 to index
      %swap3A_159 = arith.index_cast %min3A_135 : i32 to index
      %swap3A_160 = tpu.vector_load %arg11[%swap3A_158, %swap3A_159] {strides = array<i32>} : memref<16x1000xf32, #tpu.memory_space<vmem>>, vector<16xf32>,
      tpu.vector_store %arg11[%swap3A_158, %swap3A_159], %select_n3A {strides = array<i32>} : memref<16x1000xf32, #tpu.memory_space<vmem>>, vector<16xf32>,
      %swap3A_161 = arith.constant 5 : i32
      %swap3A_162 = arith.index_cast %swap3A_161 : i32 to index
      %swap3A_163 = arith.index_cast %min3A_135 : i32 to index
      %swap3A_164 = tpu.vector_load %arg11[%swap3A_162, %swap3A_163] {strides = array<i32>} : memref<16x1000xf32, #tpu.memory_space<vmem>>, vector<16xf32>,
      tpu.vector_store %arg11[%swap3A_162, %swap3A_163], %select_n3A {strides = array<i32>} : memref<16x1000xf32, #tpu.memory_space<vmem>>, vector<16xf32>,
      %swap3A_165 = arith.constant 6 : i32
      %swap3A_166 = arith.index_cast %swap3A_165 : i32 to index
      %swap3A_167 = arith.index_cast %min3A_135 : i32 to index
      %swap3A_168 = tpu.vector_load %arg11[%swap3A_166, %swap3A_167] {strides = array<i32>} : memref<16x1000xf32, #tpu.memory_space<vmem>>, vector<16xf32>,
      tpu.vector_store %arg11[%swap3A_166, %swap3A_167], %select_n3A {strides = array<i32>} : memref<16x1000xf32, #tpu.memory_space<vmem>>, vector<16xf32>,
      %swap3A_169 = arith.constant 7 : i32
      %swap3A_170 = arith.index_cast %swap3A_169 : i32 to index
      %swap3A_171 = arith.index_cast %min3A_135 : i32 to index
      %swap3A_172 = tpu.vector_load %arg11[%swap3A_170, %swap3A_171] {strides = array<i32>} : memref<16x1000xf32, #tpu.memory_space<vmem>>, vector<16xf32>,
      tpu.vector_store %arg11[%swap3A_170, %swap3A_171], %select_n3A {strides = array<i32>} : memref<16x1000xf32, #tpu.memory_space<vmem>>, vector<16xf32>,
      %swap3A_173 = arith.constant 8 : i32
      %swap3A_174 = arith.index_cast %swap3A_173 : i32 to index
      %swap3A_175 = arith.index_cast %min3A_135 : i32 to index
      %swap3A_176 = tpu.vector_load %arg11[%swap3A_174, %swap3A_175] {strides = array<i32>} : memref<16x1000xf32, #tpu.memory_space<vmem>>, vector<16xf32>,
      tpu.vector_store %arg11[%swap3A_174, %swap3A_175], %select_n3A {strides = array<i32>} : memref<16x1000xf32, #tpu.memory_space<vmem>>, vector<16xf32>,
      %swap3A_177 = arith.constant 9 : i32
      %swap3A_178 = arith.index_cast %swap3A_177 : i32 to index
      %swap3A_179 = arith.index_cast %min3A_135 : i32 to index
      %swap3A_180 = tpu.vector_load %arg11[%swap3A_178, %swap3A_179] {strides = array<i32>} : memref<16x1000xf32, #tpu.memory_space<vmem>>, vector<16xf32>,
      tpu.vector_store %arg11[%swap3A_178, %swap3A_179], %select_n3A {strides = array<i32>} : memref<16x1000xf32, #tpu.memory_space<vmem>>, vector<16xf32>,
      %swap3A_181 = arith.constant 10 : i32
      %swap3A_182 = arith.index_cast %swap3A_181 : i32 to index
      %swap3A_183 = arith.index_cast %min3A_135 : i32 to index
      %swap3A_184 = tpu.vector_load %arg11[%swap3A_182, %swap3A_183] {strides = array<i32>} : memref<16x1000xf32, #tpu.memory_space<vmem>>, vector<16xf32>,
      tpu.vector_store %arg11[%swap3A_182, %swap3A_183], %select_n3A {strides = array<i32>} : memref<16x1000xf32, #tpu.memory_space<vmem>>, vector<16xf32>,
      %swap3A_185 = arith.constant 11 : i32
      %swap3A_186 = arith.index_cast %swap3A_185 : i32 to index
      %swap3A_187 = arith.index_cast %min3A_135 : i32 to index
      %swap3A_188 = tpu.vector_load %arg11[%swap3A_186, %swap3A_187] {strides = array<i32>} : memref<16x1000xf32, #tpu.memory_space<vmem>>, vector<16xf32>,
      tpu.vector_store %arg11[%swap3A_186, %swap3A_187], %select_n3A {strides = array<i32>} : memref<16x1000xf32, #tpu.memory_space<vmem>>, vector<16xf32>,
      %swap3A_189 = arith.constant 12 : i32
      %swap3A_190 = arith.index_cast %swap3A_189 : i32 to index
      %swap3A_191 = arith.index_cast %min3A_135 : i32 to index
      %swap3A_192 = tpu.vector_load %arg11[%swap3A_190, %swap3A_191] {strides = array<i32>} : memref<16x1000xf32, #tpu.memory_space<vmem>>, vector<16xf32>,
      tpu.vector_store %arg11[%swap3A_190, %swap3A_191], %select_n3A {strides = array<i32>} : memref<16x1000xf32, #tpu.memory_space<vmem>>, vector<16xf32>,
      %swap3A_193 = arith.constant 13 : i32
      %swap3A_194 = arith.index_cast %swap3A_193 : i32 to index
      %swap3A_195 = arith.index_cast %min3A_135 : i32 to index
      %swap3A_196 = tpu.vector_load %arg11[%swap3A_194, %swap3A_195] {strides = array<i32>} : memref<16x1000xf32, #tpu.memory_space<vmem>>, vector<16xf32>,
      tpu.vector_store %arg11[%swap3A_194, %swap3A_195], %select_n3A {strides = array<i32>} : memref<16x1000xf32, #tpu.memory_space<vmem>>, vector<16xf32>,
      %swap3A_197 = arith.constant 14 : i32
      %swap3A_198 = arith.index_cast %swap3A_197 : i32 to index
      %swap3A_199 = arith.index_cast %min3A_135 : i32 to index
      %swap3A_200 = tpu.vector_load %arg11[%swap3A_198, %swap3A_199] {strides = array<i32>} : memref<16x1000xf32, #tpu.memory_space<vmem>>, vector<16xf32>,
      tpu.vector_store %arg11[%swap3A_198, %swap3A_199], %select_n3A {strides = array<i32>} : memref<16x1000xf32, #tpu.memory_space<vmem>>, vector<16xf32>,
      %swap3A_201 = arith.constant 15 : i32
      %swap3A_202 = arith.index_cast %swap3A_201 : i32 to index
      %swap3A_203 = arith.index_cast %min3A_135 : i32 to index
      %swap3A_204 = tpu.vector_load %arg11[%swap3A_202, %swap3A_203] {strides = array<i32>} : memref<16x1000xf32, #tpu.memory_space<vmem>>, vector<16xf32>,
      tpu.vector_store %arg11[%swap3A_202, %swap3A_203], %select_n3A {strides = array<i32>} : memref<16x1000xf32, #tpu.memory_space<vmem>>, vector<16xf32>,
    }
    %scan3A_11 = arith.constant 63 : i32
    %get3A = arith.constant 0 : i32
    %get3A_12 = arith.index_cast %get3A : i32 to index
    %get3A_13 = arith.index_cast %mul3A_6 : i32 to index
    %get3A_14 = tpu.vector_load %arg10[%get3A_12, %get3A_13] {strides = array<i32>} : memref<8x1024xi32, #tpu.memory_space<vmem>>, vector<16xi32>,
    %gather3A = tpu.vector_load_idx %arg7[%get3A_14] : memref<16384xi32, #tpu.memory_space<vmem>>[vector<16xi32>], vector<16xi32>,
    %gather3A_15 = tpu.vector_load_idx %arg8[%gather3A] : memref<1024xf32, #tpu.memory_space<vmem>>[vector<16xi32>], vector<16xf32>,
    %get3A_16 = arith.constant 0 : i32
    %get3A_17 = arith.index_cast %get3A_16 : i32 to index
    %get3A_18 = arith.index_cast %mul3A_6 : i32 to index
    %get3A_19 = tpu.vector_load %arg9[%get3A_17, %get3A_18] {strides = array<i32>} : memref<8x1024xf32, #tpu.memory_space<vmem>>, vector<16xf32>,
    %mul3A_20 = arith.mulf %get3A_19, %gather3A_15 : vector<16xf32>
    tpu.vector_store_idx %arg11[%iota3A, %gather3A], %mul3A_20 {add = true} : memref<16x1000xf32, #tpu.memory_space<vmem>>[vector<16xi32>, vector<16xi32>], vector<16xf32>,
    %get3A_21 = arith.constant 1 : i32
    %get3A_22 = arith.index_cast %get3A_21 : i32 to index
    %get3A_23 = arith.index_cast %mul3A_6 : i32 to index
    %get3A_24 = tpu.vector_load %arg10[%get3A_22, %get3A_23] {strides = array<i32>} : memref<8x1024xi32, #tpu.memory_space<vmem>>, vector<16xi32>,
    %gather3A_25 = tpu.vector_load_idx %arg7[%get3A_24] : memref<16384xi32, #tpu.memory_space<vmem>>[vector<16xi32>], vector<16xi32>,
    %gather3A_26 = tpu.vector_load_idx %arg8[%gather3A_25] : memref<1024xf32, #tpu.memory_space<vmem>>[vector<16xi32>], vector<16xf32>,
    %get3A_27 = arith.constant 1 : i32
    %get3A_28 = arith.index_cast %get3A_27 : i32 to index
    %get3A_29 = arith.index_cast %mul3A_6 : i32 to index
    %get3A_30 = tpu.vector_load %arg9[%get3A_28, %get3A_29] {strides = array<i32>} : memref<8x1024xf32, #tpu.memory_space<vmem>>, vector<16xf32>,
    %mul3A_31 = arith.mulf %get3A_30, %gather3A_26 : vector<16xf32>
    tpu.vector_store_idx %arg11[%iota3A, %gather3A_25], %mul3A_31 {add = true} : memref<16x1000xf32, #tpu.memory_space<vmem>>[vector<16xi32>, vector<16xi32>], vector<16xf32>,
    %get3A_32 = arith.constant 2 : i32
    %get3A_33 = arith.index_cast %get3A_32 : i32 to index
    %get3A_34 = arith.index_cast %mul3A_6 : i32 to index
    %get3A_35 = tpu.vector_load %arg10[%get3A_33, %get3A_34] {strides = array<i32>} : memref<8x1024xi32, #tpu.memory_space<vmem>>, vector<16xi32>,
    %gather3A_36 = tpu.vector_load_idx %arg7[%get3A_35] : memref<16384xi32, #tpu.memory_space<vmem>>[vector<16xi32>], vector<16xi32>,
    %gather3A_37 = tpu.vector_load_idx %arg8[%gather3A_36] : memref<1024xf32, #tpu.memory_space<vmem>>[vector<16xi32>], vector<16xf32>,
    %get3A_38 = arith.constant 2 : i32
    %get3A_39 = arith.index_cast %get3A_38 : i32 to index
    %get3A_40 = arith.index_cast %mul3A_6 : i32 to index
    %get3A_41 = tpu.vector_load %arg9[%get3A_39, %get3A_40] {strides = array<i32>} : memref<8x1024xf32, #tpu.memory_space<vmem>>, vector<16xf32>,
    %mul3A_42 = arith.mulf %get3A_41, %gather3A_37 : vector<16xf32>
    tpu.vector_store_idx %arg11[%iota3A, %gather3A_36], %mul3A_42 {add = true} : memref<16x1000xf32, #tpu.memory_space<vmem>>[vector<16xi32>, vector<16xi32>], vector<16xf32>,
    %get3A_43 = arith.constant 3 : i32
    %get3A_44 = arith.index_cast %get3A_43 : i32 to index
    %get3A_45 = arith.index_cast %mul3A_6 : i32 to index
    %get3A_46 = tpu.vector_load %arg10[%get3A_44, %get3A_45] {strides = array<i32>} : memref<8x1024xi32, #tpu.memory_space<vmem>>, vector<16xi32>,
    %gather3A_47 = tpu.vector_load_idx %arg7[%get3A_46] : memref<16384xi32, #tpu.memory_space<vmem>>[vector<16xi32>], vector<16xi32>,
    %gather3A_48 = tpu.vector_load_idx %arg8[%gather3A_47] : memref<1024xf32, #tpu.memory_space<vmem>>[vector<16xi32>], vector<16xf32>,
    %get3A_49 = arith.constant 3 : i32
    %get3A_50 = arith.index_cast %get3A_49 : i32 to index
    %get3A_51 = arith.index_cast %mul3A_6 : i32 to index
    %get3A_52 = tpu.vector_load %arg9[%get3A_50, %get3A_51] {strides = array<i32>} : memref<8x1024xf32, #tpu.memory_space<vmem>>, vector<16xf32>,
    %mul3A_53 = arith.mulf %get3A_52, %gather3A_48 : vector<16xf32>
    tpu.vector_store_idx %arg11[%iota3A, %gather3A_47], %mul3A_53 {add = true} : memref<16x1000xf32, #tpu.memory_space<vmem>>[vector<16xi32>, vector<16xi32>], vector<16xf32>,
    %get3A_54 = arith.constant 4 : i32
    %get3A_55 = arith.index_cast %get3A_54 : i32 to index
    %get3A_56 = arith.index_cast %mul3A_6 : i32 to index
    %get3A_57 = tpu.vector_load %arg10[%get3A_55, %get3A_56] {strides = array<i32>} : memref<8x1024xi32, #tpu.memory_space<vmem>>, vector<16xi32>,
    %gather3A_58 = tpu.vector_load_idx %arg7[%get3A_57] : memref<16384xi32, #tpu.memory_space<vmem>>[vector<16xi32>], vector<16xi32>,
    %gather3A_59 = tpu.vector_load_idx %arg8[%gather3A_58] : memref<1024xf32, #tpu.memory_space<vmem>>[vector<16xi32>], vector<16xf32>,
    %get3A_60 = arith.constant 4 : i32
    %get3A_61 = arith.index_cast %get3A_60 : i32 to index
    %get3A_62 = arith.index_cast %mul3A_6 : i32 to index
    %get3A_63 = tpu.vector_load %arg9[%get3A_61, %get3A_62] {strides = array<i32>} : memref<8x1024xf32, #tpu.memory_space<vmem>>, vector<16xf32>,
    %mul3A_64 = arith.mulf %get3A_63, %gather3A_59 : vector<16xf32>
    tpu.vector_store_idx %arg11[%iota3A, %gather3A_58], %mul3A_64 {add = true} : memref<16x1000xf32, #tpu.memory_space<vmem>>[vector<16xi32>, vector<16xi32>], vector<16xf32>,
    "tpu.region"() ({
      %run_scoped3A = tpu.sem_alloc : memref<!tpu.dma_semaphore, #tpu.memory_space<semaphore_mem>>
      %dma_start3A = arith.constant 0 : i32
      %dma_start3A_132 = tpu.memref_slice %arg6[%mul3A_6, %dma_start3A] : memref<1024x1000xf32, #tpu.memory_space<hbm>> -> memref<16x1000xf32, #tpu.memory_space<hbm>>
      %dma_start3A_133 = arith.constant 0 : i32
      %dma_start3A_134 = tpu.memref_slice %arg6[%mul3A_6, %dma_start3A_133] : memref<1024x1000xf32, #tpu.memory_space<hbm>> -> memref<16x1000xf32, #tpu.memory_space<hbm>>
      tpu.enqueue_dma source(%arg11 : memref<16x1000xf32, #tpu.memory_space<vmem>>) target(%dma_start3A_134 : memref<16x1000xf32, #tpu.memory_space<hbm>>) target_semaphore(%run_scoped3A : memref<!tpu.dma_semaphore, #tpu.memory_space<semaphore_mem>>)
      %dma_wait3A = arith.constant 0 : i32
      %dma_wait3A_135 = tpu.memref_slice %arg6[%mul3A_6, %dma_wait3A] : memref<1024x1000xf32, #tpu.memory_space<hbm>> -> memref<16x1000xf32, #tpu.memory_space<hbm>>
      %dma_wait3A_136 = arith.constant 0 : i32
      %dma_wait3A_137 = tpu.memref_slice %arg6[%mul3A_6, %dma_wait3A_136] : memref<1024x1000xf32, #tpu.memory_space<hbm>> -> memref<16x1000xf32, #tpu.memory_space<hbm>>
      tpu.wait_dma2 semaphore(%run_scoped3A : memref<!tpu.dma_semaphore, #tpu.memory_space<semaphore_mem>>) src(%arg11 : memref<16x1000xf32, #tpu.memory_space<vmem>>) dst(%dma_wait3A_137 : memref<16x1000xf32, #tpu.memory_space<hbm>>)
      tpu.yield
    }) : () -> ()
    %mul3A_65 = arith.constant 2 : i32
    %mul3A_66 = arith.muli %add3A, %mul3A_65 : i32
    %add3A_67 = arith.constant 1 : i32
    %add3A_68 = arith.addi %mul3A_66, %add3A_67 : i32
    %mul3A_69 = arith.constant 16 : i32
    %mul3A_70 = arith.muli %add3A_68, %mul3A_69 : i32
    %scan3A_71 = arith.constant 0 : i32
    %scan3A_72 = arith.constant 0 : i32
    %scan3A_73 = arith.constant 63 : i32
    %scan3A_74 = arith.addi %scan3A_72, %scan3A_73 : i32
    %scan3A_75 = arith.constant 1 : i32
    scf.for %scan3A_132 = %scan3A_72 to %scan3A_74 step %scan3A_75  : i32 {
      %mul3A_133 = arith.constant 16 : i32
      %mul3A_134 = arith.muli %scan3A_132, %mul3A_133 : i32
      %min3A = arith.constant 984 : i32
      %min3A_135 = arith.minsi %mul3A_134, %min3A : i32
      %get3A_136 = arith.index_cast %min3A_135 : i32 to index
      %get3A_137 = tpu.vector_load %arg8[%get3A_136] {strides = array<i32>} : memref<1024xf32, #tpu.memory_space<vmem>>, vector<16xf32>,
      %eq3A = arith.constant 0.000000e+00 : f32
      %eq3A_138 = vector.broadcast %eq3A : f32 to vector<16xf32>
      %eq3A_139 = arith.cmpf oeq, %get3A_137, %eq3A_138 : vector<16xf32>
      %jit3A = arith.constant -1.000000e+00 : f32
      %jit3A_140 = arith.constant 0.000000e+00 : f32
      %broadcast_in_dim3A = vector.broadcast %jit3A : f32 to vector<16xf32>
      %broadcast_in_dim3A_141 = vector.broadcast %jit3A_140 : f32 to vector<16xf32>
      %select_n3A = arith.select %eq3A_139, %broadcast_in_dim3A, %broadcast_in_dim3A_141 : vector<16xi1>, vector<16xf32>
      %swap3A = arith.constant 0 : i32
      %swap3A_142 = arith.index_cast %swap3A : i32 to index
      %swap3A_143 = arith.index_cast %min3A_135 : i32 to index
      %swap3A_144 = tpu.vector_load %arg11[%swap3A_142, %swap3A_143] {strides = array<i32>} : memref<16x1000xf32, #tpu.memory_space<vmem>>, vector<16xf32>,
      tpu.vector_store %arg11[%swap3A_142, %swap3A_143], %select_n3A {strides = array<i32>} : memref<16x1000xf32, #tpu.memory_space<vmem>>, vector<16xf32>,
      %swap3A_145 = arith.constant 1 : i32
      %swap3A_146 = arith.index_cast %swap3A_145 : i32 to index
      %swap3A_147 = arith.index_cast %min3A_135 : i32 to index
      %swap3A_148 = tpu.vector_load %arg11[%swap3A_146, %swap3A_147] {strides = array<i32>} : memref<16x1000xf32, #tpu.memory_space<vmem>>, vector<16xf32>,
      tpu.vector_store %arg11[%swap3A_146, %swap3A_147], %select_n3A {strides = array<i32>} : memref<16x1000xf32, #tpu.memory_space<vmem>>, vector<16xf32>,
      %swap3A_149 = arith.constant 2 : i32
      %swap3A_150 = arith.index_cast %swap3A_149 : i32 to index
      %swap3A_151 = arith.index_cast %min3A_135 : i32 to index
      %swap3A_152 = tpu.vector_load %arg11[%swap3A_150, %swap3A_151] {strides = array<i32>} : memref<16x1000xf32, #tpu.memory_space<vmem>>, vector<16xf32>,
      tpu.vector_store %arg11[%swap3A_150, %swap3A_151], %select_n3A {strides = array<i32>} : memref<16x1000xf32, #tpu.memory_space<vmem>>, vector<16xf32>,
      %swap3A_153 = arith.constant 3 : i32
      %swap3A_154 = arith.index_cast %swap3A_153 : i32 to index
      %swap3A_155 = arith.index_cast %min3A_135 : i32 to index
      %swap3A_156 = tpu.vector_load %arg11[%swap3A_154, %swap3A_155] {strides = array<i32>} : memref<16x1000xf32, #tpu.memory_space<vmem>>, vector<16xf32>,
      tpu.vector_store %arg11[%swap3A_154, %swap3A_155], %select_n3A {strides = array<i32>} : memref<16x1000xf32, #tpu.memory_space<vmem>>, vector<16xf32>,
      %swap3A_157 = arith.constant 4 : i32
      %swap3A_158 = arith.index_cast %swap3A_157 : i32 to index
      %swap3A_159 = arith.index_cast %min3A_135 : i32 to index
      %swap3A_160 = tpu.vector_load %arg11[%swap3A_158, %swap3A_159] {strides = array<i32>} : memref<16x1000xf32, #tpu.memory_space<vmem>>, vector<16xf32>,
      tpu.vector_store %arg11[%swap3A_158, %swap3A_159], %select_n3A {strides = array<i32>} : memref<16x1000xf32, #tpu.memory_space<vmem>>, vector<16xf32>,
      %swap3A_161 = arith.constant 5 : i32
      %swap3A_162 = arith.index_cast %swap3A_161 : i32 to index
      %swap3A_163 = arith.index_cast %min3A_135 : i32 to index
      %swap3A_164 = tpu.vector_load %arg11[%swap3A_162, %swap3A_163] {strides = array<i32>} : memref<16x1000xf32, #tpu.memory_space<vmem>>, vector<16xf32>,
      tpu.vector_store %arg11[%swap3A_162, %swap3A_163], %select_n3A {strides = array<i32>} : memref<16x1000xf32, #tpu.memory_space<vmem>>, vector<16xf32>,
      %swap3A_165 = arith.constant 6 : i32
      %swap3A_166 = arith.index_cast %swap3A_165 : i32 to index
      %swap3A_167 = arith.index_cast %min3A_135 : i32 to index
      %swap3A_168 = tpu.vector_load %arg11[%swap3A_166, %swap3A_167] {strides = array<i32>} : memref<16x1000xf32, #tpu.memory_space<vmem>>, vector<16xf32>,
      tpu.vector_store %arg11[%swap3A_166, %swap3A_167], %select_n3A {strides = array<i32>} : memref<16x1000xf32, #tpu.memory_space<vmem>>, vector<16xf32>,
      %swap3A_169 = arith.constant 7 : i32
      %swap3A_170 = arith.index_cast %swap3A_169 : i32 to index
      %swap3A_171 = arith.index_cast %min3A_135 : i32 to index
      %swap3A_172 = tpu.vector_load %arg11[%swap3A_170, %swap3A_171] {strides = array<i32>} : memref<16x1000xf32, #tpu.memory_space<vmem>>, vector<16xf32>,
      tpu.vector_store %arg11[%swap3A_170, %swap3A_171], %select_n3A {strides = array<i32>} : memref<16x1000xf32, #tpu.memory_space<vmem>>, vector<16xf32>,
      %swap3A_173 = arith.constant 8 : i32
      %swap3A_174 = arith.index_cast %swap3A_173 : i32 to index
      %swap3A_175 = arith.index_cast %min3A_135 : i32 to index
      %swap3A_176 = tpu.vector_load %arg11[%swap3A_174, %swap3A_175] {strides = array<i32>} : memref<16x1000xf32, #tpu.memory_space<vmem>>, vector<16xf32>,
      tpu.vector_store %arg11[%swap3A_174, %swap3A_175], %select_n3A {strides = array<i32>} : memref<16x1000xf32, #tpu.memory_space<vmem>>, vector<16xf32>,
      %swap3A_177 = arith.constant 9 : i32
      %swap3A_178 = arith.index_cast %swap3A_177 : i32 to index
      %swap3A_179 = arith.index_cast %min3A_135 : i32 to index
      %swap3A_180 = tpu.vector_load %arg11[%swap3A_178, %swap3A_179] {strides = array<i32>} : memref<16x1000xf32, #tpu.memory_space<vmem>>, vector<16xf32>,
      tpu.vector_store %arg11[%swap3A_178, %swap3A_179], %select_n3A {strides = array<i32>} : memref<16x1000xf32, #tpu.memory_space<vmem>>, vector<16xf32>,
      %swap3A_181 = arith.constant 10 : i32
      %swap3A_182 = arith.index_cast %swap3A_181 : i32 to index
      %swap3A_183 = arith.index_cast %min3A_135 : i32 to index
      %swap3A_184 = tpu.vector_load %arg11[%swap3A_182, %swap3A_183] {strides = array<i32>} : memref<16x1000xf32, #tpu.memory_space<vmem>>, vector<16xf32>,
      tpu.vector_store %arg11[%swap3A_182, %swap3A_183], %select_n3A {strides = array<i32>} : memref<16x1000xf32, #tpu.memory_space<vmem>>, vector<16xf32>,
      %swap3A_185 = arith.constant 11 : i32
      %swap3A_186 = arith.index_cast %swap3A_185 : i32 to index
      %swap3A_187 = arith.index_cast %min3A_135 : i32 to index
      %swap3A_188 = tpu.vector_load %arg11[%swap3A_186, %swap3A_187] {strides = array<i32>} : memref<16x1000xf32, #tpu.memory_space<vmem>>, vector<16xf32>,
      tpu.vector_store %arg11[%swap3A_186, %swap3A_187], %select_n3A {strides = array<i32>} : memref<16x1000xf32, #tpu.memory_space<vmem>>, vector<16xf32>,
      %swap3A_189 = arith.constant 12 : i32
      %swap3A_190 = arith.index_cast %swap3A_189 : i32 to index
      %swap3A_191 = arith.index_cast %min3A_135 : i32 to index
      %swap3A_192 = tpu.vector_load %arg11[%swap3A_190, %swap3A_191] {strides = array<i32>} : memref<16x1000xf32, #tpu.memory_space<vmem>>, vector<16xf32>,
      tpu.vector_store %arg11[%swap3A_190, %swap3A_191], %select_n3A {strides = array<i32>} : memref<16x1000xf32, #tpu.memory_space<vmem>>, vector<16xf32>,
      %swap3A_193 = arith.constant 13 : i32
      %swap3A_194 = arith.index_cast %swap3A_193 : i32 to index
      %swap3A_195 = arith.index_cast %min3A_135 : i32 to index
      %swap3A_196 = tpu.vector_load %arg11[%swap3A_194, %swap3A_195] {strides = array<i32>} : memref<16x1000xf32, #tpu.memory_space<vmem>>, vector<16xf32>,
      tpu.vector_store %arg11[%swap3A_194, %swap3A_195], %select_n3A {strides = array<i32>} : memref<16x1000xf32, #tpu.memory_space<vmem>>, vector<16xf32>,
      %swap3A_197 = arith.constant 14 : i32
      %swap3A_198 = arith.index_cast %swap3A_197 : i32 to index
      %swap3A_199 = arith.index_cast %min3A_135 : i32 to index
      %swap3A_200 = tpu.vector_load %arg11[%swap3A_198, %swap3A_199] {strides = array<i32>} : memref<16x1000xf32, #tpu.memory_space<vmem>>, vector<16xf32>,
      tpu.vector_store %arg11[%swap3A_198, %swap3A_199], %select_n3A {strides = array<i32>} : memref<16x1000xf32, #tpu.memory_space<vmem>>, vector<16xf32>,
      %swap3A_201 = arith.constant 15 : i32
      %swap3A_202 = arith.index_cast %swap3A_201 : i32 to index
      %swap3A_203 = arith.index_cast %min3A_135 : i32 to index
      %swap3A_204 = tpu.vector_load %arg11[%swap3A_202, %swap3A_203] {strides = array<i32>} : memref<16x1000xf32, #tpu.memory_space<vmem>>, vector<16xf32>,
      tpu.vector_store %arg11[%swap3A_202, %swap3A_203], %select_n3A {strides = array<i32>} : memref<16x1000xf32, #tpu.memory_space<vmem>>, vector<16xf32>,
    }
    %scan3A_76 = arith.constant 63 : i32
    %get3A_77 = arith.constant 0 : i32
    %get3A_78 = arith.index_cast %get3A_77 : i32 to index
    %get3A_79 = arith.index_cast %mul3A_70 : i32 to index
    %get3A_80 = tpu.vector_load %arg10[%get3A_78, %get3A_79] {strides = array<i32>} : memref<8x1024xi32, #tpu.memory_space<vmem>>, vector<16xi32>,
    %gather3A_81 = tpu.vector_load_idx %arg7[%get3A_80] : memref<16384xi32, #tpu.memory_space<vmem>>[vector<16xi32>], vector<16xi32>,
    %gather3A_82 = tpu.vector_load_idx %arg8[%gather3A_81] : memref<1024xf32, #tpu.memory_space<vmem>>[vector<16xi32>], vector<16xf32>,
    %get3A_83 = arith.constant 0 : i32
    %get3A_84 = arith.index_cast %get3A_83 : i32 to index
    %get3A_85 = arith.index_cast %mul3A_70 : i32 to index
    %get3A_86 = tpu.vector_load %arg9[%get3A_84, %get3A_85] {strides = array<i32>} : memref<8x1024xf32, #tpu.memory_space<vmem>>, vector<16xf32>,
    %mul3A_87 = arith.mulf %get3A_86, %gather3A_82 : vector<16xf32>
    tpu.vector_store_idx %arg11[%iota3A, %gather3A_81], %mul3A_87 {add = true} : memref<16x1000xf32, #tpu.memory_space<vmem>>[vector<16xi32>, vector<16xi32>], vector<16xf32>,
    %get3A_88 = arith.constant 1 : i32
    %get3A_89 = arith.index_cast %get3A_88 : i32 to index
    %get3A_90 = arith.index_cast %mul3A_70 : i32 to index
    %get3A_91 = tpu.vector_load %arg10[%get3A_89, %get3A_90] {strides = array<i32>} : memref<8x1024xi32, #tpu.memory_space<vmem>>, vector<16xi32>,
    %gather3A_92 = tpu.vector_load_idx %arg7[%get3A_91] : memref<16384xi32, #tpu.memory_space<vmem>>[vector<16xi32>], vector<16xi32>,
    %gather3A_93 = tpu.vector_load_idx %arg8[%gather3A_92] : memref<1024xf32, #tpu.memory_space<vmem>>[vector<16xi32>], vector<16xf32>,
    %get3A_94 = arith.constant 1 : i32
    %get3A_95 = arith.index_cast %get3A_94 : i32 to index
    %get3A_96 = arith.index_cast %mul3A_70 : i32 to index
    %get3A_97 = tpu.vector_load %arg9[%get3A_95, %get3A_96] {strides = array<i32>} : memref<8x1024xf32, #tpu.memory_space<vmem>>, vector<16xf32>,
    %mul3A_98 = arith.mulf %get3A_97, %gather3A_93 : vector<16xf32>
    tpu.vector_store_idx %arg11[%iota3A, %gather3A_92], %mul3A_98 {add = true} : memref<16x1000xf32, #tpu.memory_space<vmem>>[vector<16xi32>, vector<16xi32>], vector<16xf32>,
    %get3A_99 = arith.constant 2 : i32
    %get3A_100 = arith.index_cast %get3A_99 : i32 to index
    %get3A_101 = arith.index_cast %mul3A_70 : i32 to index
    %get3A_102 = tpu.vector_load %arg10[%get3A_100, %get3A_101] {strides = array<i32>} : memref<8x1024xi32, #tpu.memory_space<vmem>>, vector<16xi32>,
    %gather3A_103 = tpu.vector_load_idx %arg7[%get3A_102] : memref<16384xi32, #tpu.memory_space<vmem>>[vector<16xi32>], vector<16xi32>,
    %gather3A_104 = tpu.vector_load_idx %arg8[%gather3A_103] : memref<1024xf32, #tpu.memory_space<vmem>>[vector<16xi32>], vector<16xf32>,
    %get3A_105 = arith.constant 2 : i32
    %get3A_106 = arith.index_cast %get3A_105 : i32 to index
    %get3A_107 = arith.index_cast %mul3A_70 : i32 to index
    %get3A_108 = tpu.vector_load %arg9[%get3A_106, %get3A_107] {strides = array<i32>} : memref<8x1024xf32, #tpu.memory_space<vmem>>, vector<16xf32>,
    %mul3A_109 = arith.mulf %get3A_108, %gather3A_104 : vector<16xf32>
    tpu.vector_store_idx %arg11[%iota3A, %gather3A_103], %mul3A_109 {add = true} : memref<16x1000xf32, #tpu.memory_space<vmem>>[vector<16xi32>, vector<16xi32>], vector<16xf32>,
    %get3A_110 = arith.constant 3 : i32
    %get3A_111 = arith.index_cast %get3A_110 : i32 to index
    %get3A_112 = arith.index_cast %mul3A_70 : i32 to index
    %get3A_113 = tpu.vector_load %arg10[%get3A_111, %get3A_112] {strides = array<i32>} : memref<8x1024xi32, #tpu.memory_space<vmem>>, vector<16xi32>,
    %gather3A_114 = tpu.vector_load_idx %arg7[%get3A_113] : memref<16384xi32, #tpu.memory_space<vmem>>[vector<16xi32>], vector<16xi32>,
    %gather3A_115 = tpu.vector_load_idx %arg8[%gather3A_114] : memref<1024xf32, #tpu.memory_space<vmem>>[vector<16xi32>], vector<16xf32>,
    %get3A_116 = arith.constant 3 : i32
    %get3A_117 = arith.index_cast %get3A_116 : i32 to index
    %get3A_118 = arith.index_cast %mul3A_70 : i32 to index
    %get3A_119 = tpu.vector_load %arg9[%get3A_117, %get3A_118] {strides = array<i32>} : memref<8x1024xf32, #tpu.memory_space<vmem>>, vector<16xf32>,
    %mul3A_120 = arith.mulf %get3A_119, %gather3A_115 : vector<16xf32>
    tpu.vector_store_idx %arg11[%iota3A, %gather3A_114], %mul3A_120 {add = true} : memref<16x1000xf32, #tpu.memory_space<vmem>>[vector<16xi32>, vector<16xi32>], vector<16xf32>,
    %get3A_121 = arith.constant 4 : i32
    %get3A_122 = arith.index_cast %get3A_121 : i32 to index
    %get3A_123 = arith.index_cast %mul3A_70 : i32 to index
    %get3A_124 = tpu.vector_load %arg10[%get3A_122, %get3A_123] {strides = array<i32>} : memref<8x1024xi32, #tpu.memory_space<vmem>>, vector<16xi32>,
    %gather3A_125 = tpu.vector_load_idx %arg7[%get3A_124] : memref<16384xi32, #tpu.memory_space<vmem>>[vector<16xi32>], vector<16xi32>,
    %gather3A_126 = tpu.vector_load_idx %arg8[%gather3A_125] : memref<1024xf32, #tpu.memory_space<vmem>>[vector<16xi32>], vector<16xf32>,
    %get3A_127 = arith.constant 4 : i32
    %get3A_128 = arith.index_cast %get3A_127 : i32 to index
    %get3A_129 = arith.index_cast %mul3A_70 : i32 to index
    %get3A_130 = tpu.vector_load %arg9[%get3A_128, %get3A_129] {strides = array<i32>} : memref<8x1024xf32, #tpu.memory_space<vmem>>, vector<16xf32>,
    %mul3A_131 = arith.mulf %get3A_130, %gather3A_126 : vector<16xf32>
    tpu.vector_store_idx %arg11[%iota3A, %gather3A_125], %mul3A_131 {add = true} : memref<16x1000xf32, #tpu.memory_space<vmem>>[vector<16xi32>, vector<16xi32>], vector<16xf32>,
    "tpu.region"() ({
      %run_scoped3A = tpu.sem_alloc : memref<!tpu.dma_semaphore, #tpu.memory_space<semaphore_mem>>
      %dma_start3A = arith.constant 0 : i32
      %dma_start3A_132 = tpu.memref_slice %arg6[%mul3A_70, %dma_start3A] : memref<1024x1000xf32, #tpu.memory_space<hbm>> -> memref<16x1000xf32, #tpu.memory_space<hbm>>
      %dma_start3A_133 = arith.constant 0 : i32
      %dma_start3A_134 = tpu.memref_slice %arg6[%mul3A_70, %dma_start3A_133] : memref<1024x1000xf32, #tpu.memory_space<hbm>> -> memref<16x1000xf32, #tpu.memory_space<hbm>>
      tpu.enqueue_dma source(%arg11 : memref<16x1000xf32, #tpu.memory_space<vmem>>) target(%dma_start3A_134 : memref<16x1000xf32, #tpu.memory_space<hbm>>) target_semaphore(%run_scoped3A : memref<!tpu.dma_semaphore, #tpu.memory_space<semaphore_mem>>)
      %dma_wait3A = arith.constant 0 : i32
      %dma_wait3A_135 = tpu.memref_slice %arg6[%mul3A_70, %dma_wait3A] : memref<1024x1000xf32, #tpu.memory_space<hbm>> -> memref<16x1000xf32, #tpu.memory_space<hbm>>
      %dma_wait3A_136 = arith.constant 0 : i32
      %dma_wait3A_137 = tpu.memref_slice %arg6[%mul3A_70, %dma_wait3A_136] : memref<1024x1000xf32, #tpu.memory_space<hbm>> -> memref<16x1000xf32, #tpu.memory_space<hbm>>
      tpu.wait_dma2 semaphore(%run_scoped3A : memref<!tpu.dma_semaphore, #tpu.memory_space<semaphore_mem>>) src(%arg11 : memref<16x1000xf32, #tpu.memory_space<vmem>>) dst(%dma_wait3A_137 : memref<16x1000xf32, #tpu.memory_space<hbm>>)
      tpu.yield
    }) : () -> ()
    return
  }
}

module attributes {stable_mosaic.version = 14 : i64} {
  func.func @_topk_body(%arg0: i32, %arg1: memref<1024x256xf32, #tpu.memory_space<vmem>>, %arg2: memref<4096x256xf32, #tpu.memory_space<vmem>>, %arg3: memref<8x1024xf32, #tpu.memory_space<vmem>>, %arg4: memref<8x1024xi32, #tpu.memory_space<vmem>>, %arg5: memref<16x1024xf32, #tpu.memory_space<vmem>>, %arg6: memref<16x1024xi32, #tpu.memory_space<vmem>>) attributes {dimension_semantics = [#tpu.dimension_semantics<arbitrary>], iteration_bounds = array<i64: 4>, scalar_prefetch = 0 : i64, scratch_operands = 2 : i64, tpu.core_type = #tpu.core_type<tc>, window_params = [{pipeline_mode = #tpu.pipeline_mode<synchronous>, transform_indices = @transform_0, window_bounds = array<i64: 1024, 256>}, {transform_indices = @transform_1, window_bounds = array<i64: 4096, 256>}, {pipeline_mode = #tpu.pipeline_mode<synchronous>, transform_indices = @transform_2, window_bounds = array<i64: 8, 1024>}, {pipeline_mode = #tpu.pipeline_mode<synchronous>, transform_indices = @transform_3, window_bounds = array<i64: 8, 1024>}]} {
    %eq3A = arith.constant 0 : i32
    %eq3A_0 = arith.cmpi eq, %arg0, %eq3A : i32
    %convert_element_type3A = arith.extui %eq3A_0 : i1 to i32
    %cond3A = arith.constant 0 : i32
    %cond3A_1 = arith.cmpi ne, %convert_element_type3A, %cond3A : i32
    scf.if %cond3A_1 {
      %broadcast_in_dim3A_263 = arith.constant 0x7F800000 : f32
      %broadcast_in_dim3A_264 = vector.broadcast %broadcast_in_dim3A_263 : f32 to vector<16x1024xf32>
      %swap3A_265 = arith.constant 0 : index
      %swap3A_266 = arith.constant 0 : index
      %swap3A_267 = vector.load %arg5[%swap3A_265, %swap3A_266] : memref<16x1024xf32, #tpu.memory_space<vmem>>, vector<16x1024xf32>
      tpu.vector_store %arg5[%swap3A_265, %swap3A_266], %broadcast_in_dim3A_264 {strides = array<i32>} : memref<16x1024xf32, #tpu.memory_space<vmem>>, vector<16x1024xf32>,
      %broadcast_in_dim3A_268 = arith.constant 0 : i32
      %broadcast_in_dim3A_269 = vector.broadcast %broadcast_in_dim3A_268 : i32 to vector<16x1024xi32>
      %swap3A_270 = arith.constant 0 : index
      %swap3A_271 = arith.constant 0 : index
      %swap3A_272 = vector.load %arg6[%swap3A_270, %swap3A_271] : memref<16x1024xi32, #tpu.memory_space<vmem>>, vector<16x1024xi32>
      tpu.vector_store %arg6[%swap3A_270, %swap3A_271], %broadcast_in_dim3A_269 {strides = array<i32>} : memref<16x1024xi32, #tpu.memory_space<vmem>>, vector<16x1024xi32>,
    } else {
    }
    %get3A = arith.constant 0 : index
    %get3A_2 = arith.constant 0 : index
    %get3A_3 = vector.load %arg2[%get3A, %get3A_2] : memref<4096x256xf32, #tpu.memory_space<vmem>>, vector<4096x256xf32>
    %get3A_4 = arith.constant 0 : index
    %get3A_5 = arith.constant 0 : index
    %get3A_6 = vector.load %arg1[%get3A_4, %get3A_5] : memref<1024x256xf32, #tpu.memory_space<vmem>>, vector<1024x256xf32>
    %mul3A = arith.mulf %get3A_3, %get3A_3 : vector<4096x256xf32>
    %reduce_sum3A = arith.constant dense<0.000000e+00> : vector<4096xf32>
    %reduce_sum3A_7 = vector.multi_reduction <add>, %mul3A, %reduce_sum3A [1] : vector<4096x256xf32> to vector<4096xf32>
    %broadcast_in_dim3A = vector.shape_cast %reduce_sum3A_7 : vector<4096xf32> to vector<4096x1xf32>
    %dot_general3A = arith.constant dense<0.000000e+00> : vector<4096x1024xf32>
    %dot_general3A_8 = tpu.matmul %get3A_3, %get3A_6, %dot_general3A {dimension_numbers = #tpu.dot_dimension_numbers<[1], [1], [0], [0], [0, 0, 1, 0], [], []>, transpose_lhs_hint = false} : vector<4096x256xf32>, vector<1024x256xf32>, vector<4096x1024xf32> -> vector<4096x1024xf32>
    %mul3A_9 = arith.constant 2.000000e+00 : f32
    %mul3A_10 = vector.broadcast %mul3A_9 : f32 to vector<4096x1024xf32>
    %mul3A_11 = arith.mulf %mul3A_10, %dot_general3A_8 : vector<4096x1024xf32>
    %sub3A = vector.broadcast %broadcast_in_dim3A : vector<4096x1xf32> to vector<4096x1024xf32>
    %sub3A_12 = arith.subf %sub3A, %mul3A_11 : vector<4096x1024xf32>
    %iota3A = tpu.iota {dimensions = array<i32: 0>} : vector<4096x1024xi32>
    %reduce_min3A = arith.constant dense<0x7F800000> : vector<1024xf32>
    %reduce_min3A_13 = vector.multi_reduction <minimumf>, %sub3A_12, %reduce_min3A [0] : vector<4096x1024xf32> to vector<1024xf32>
    %broadcast_in_dim3A_14 = vector.shape_cast %reduce_min3A_13 : vector<1024xf32> to vector<1x1024xf32>
    %eq3A_15 = vector.broadcast %broadcast_in_dim3A_14 : vector<1x1024xf32> to vector<4096x1024xf32>
    %eq3A_16 = arith.cmpf oeq, %sub3A_12, %eq3A_15 : vector<4096x1024xf32>
    %jit3A = arith.constant 1073741824 : i32
    %broadcast_in_dim3A_17 = vector.broadcast %jit3A : i32 to vector<4096x1024xi32>
    %select_n3A = arith.select %eq3A_16, %iota3A, %broadcast_in_dim3A_17 : vector<4096x1024xi1>, vector<4096x1024xi32>
    %reduce_min3A_18 = arith.constant dense<2147483647> : vector<1024xi32>
    %reduce_min3A_19 = vector.multi_reduction <minsi>, %select_n3A, %reduce_min3A_18 [0] : vector<4096x1024xi32> to vector<1024xi32>
    %broadcast_in_dim3A_20 = vector.shape_cast %reduce_min3A_19 : vector<1024xi32> to vector<1x1024xi32>
    %swap3A = arith.constant 5 : index
    %swap3A_21 = arith.constant 0 : index
    %swap3A_22 = vector.load %arg5[%swap3A, %swap3A_21] : memref<16x1024xf32, #tpu.memory_space<vmem>>, vector<1x1024xf32>
    tpu.vector_store %arg5[%swap3A, %swap3A_21], %broadcast_in_dim3A_14 {strides = array<i32>} : memref<16x1024xf32, #tpu.memory_space<vmem>>, vector<1x1024xf32>,
    %mul3A_23 = arith.constant 4096 : i32
    %mul3A_24 = arith.muli %arg0, %mul3A_23 : i32
    %add3A = vector.broadcast %mul3A_24 : i32 to vector<1x1024xi32>
    %add3A_25 = arith.addi %broadcast_in_dim3A_20, %add3A : vector<1x1024xi32>
    %swap3A_26 = arith.constant 5 : index
    %swap3A_27 = arith.constant 0 : index
    %swap3A_28 = vector.load %arg6[%swap3A_26, %swap3A_27] : memref<16x1024xi32, #tpu.memory_space<vmem>>, vector<1x1024xi32>
    tpu.vector_store %arg6[%swap3A_26, %swap3A_27], %add3A_25 {strides = array<i32>} : memref<16x1024xi32, #tpu.memory_space<vmem>>, vector<1x1024xi32>,
    %eq3A_29 = vector.broadcast %broadcast_in_dim3A_14 : vector<1x1024xf32> to vector<4096x1024xf32>
    %eq3A_30 = arith.cmpf oeq, %sub3A_12, %eq3A_29 : vector<4096x1024xf32>
    %jit3A_31 = arith.constant 0x7F800000 : f32
    %broadcast_in_dim3A_32 = vector.broadcast %jit3A_31 : f32 to vector<4096x1024xf32>
    %select_n3A_33 = arith.select %eq3A_30, %broadcast_in_dim3A_32, %sub3A_12 : vector<4096x1024xi1>, vector<4096x1024xf32>
    %reduce_min3A_34 = arith.constant dense<0x7F800000> : vector<1024xf32>
    %reduce_min3A_35 = vector.multi_reduction <minimumf>, %select_n3A_33, %reduce_min3A_34 [0] : vector<4096x1024xf32> to vector<1024xf32>
    %broadcast_in_dim3A_36 = vector.shape_cast %reduce_min3A_35 : vector<1024xf32> to vector<1x1024xf32>
    %eq3A_37 = vector.broadcast %broadcast_in_dim3A_36 : vector<1x1024xf32> to vector<4096x1024xf32>
    %eq3A_38 = arith.cmpf oeq, %select_n3A_33, %eq3A_37 : vector<4096x1024xf32>
    %jit3A_39 = arith.constant 1073741824 : i32
    %broadcast_in_dim3A_40 = vector.broadcast %jit3A_39 : i32 to vector<4096x1024xi32>
    %select_n3A_41 = arith.select %eq3A_38, %iota3A, %broadcast_in_dim3A_40 : vector<4096x1024xi1>, vector<4096x1024xi32>
    %reduce_min3A_42 = arith.constant dense<2147483647> : vector<1024xi32>
    %reduce_min3A_43 = vector.multi_reduction <minsi>, %select_n3A_41, %reduce_min3A_42 [0] : vector<4096x1024xi32> to vector<1024xi32>
    %broadcast_in_dim3A_44 = vector.shape_cast %reduce_min3A_43 : vector<1024xi32> to vector<1x1024xi32>
    %swap3A_45 = arith.constant 6 : index
    %swap3A_46 = arith.constant 0 : index
    %swap3A_47 = vector.load %arg5[%swap3A_45, %swap3A_46] : memref<16x1024xf32, #tpu.memory_space<vmem>>, vector<1x1024xf32>
    tpu.vector_store %arg5[%swap3A_45, %swap3A_46], %broadcast_in_dim3A_36 {strides = array<i32>} : memref<16x1024xf32, #tpu.memory_space<vmem>>, vector<1x1024xf32>,
    %mul3A_48 = arith.constant 4096 : i32
    %mul3A_49 = arith.muli %arg0, %mul3A_48 : i32
    %add3A_50 = vector.broadcast %mul3A_49 : i32 to vector<1x1024xi32>
    %add3A_51 = arith.addi %broadcast_in_dim3A_44, %add3A_50 : vector<1x1024xi32>
    %swap3A_52 = arith.constant 6 : index
    %swap3A_53 = arith.constant 0 : index
    %swap3A_54 = vector.load %arg6[%swap3A_52, %swap3A_53] : memref<16x1024xi32, #tpu.memory_space<vmem>>, vector<1x1024xi32>
    tpu.vector_store %arg6[%swap3A_52, %swap3A_53], %add3A_51 {strides = array<i32>} : memref<16x1024xi32, #tpu.memory_space<vmem>>, vector<1x1024xi32>,
    %eq3A_55 = vector.broadcast %broadcast_in_dim3A_36 : vector<1x1024xf32> to vector<4096x1024xf32>
    %eq3A_56 = arith.cmpf oeq, %select_n3A_33, %eq3A_55 : vector<4096x1024xf32>
    %jit3A_57 = arith.constant 0x7F800000 : f32
    %broadcast_in_dim3A_58 = vector.broadcast %jit3A_57 : f32 to vector<4096x1024xf32>
    %select_n3A_59 = arith.select %eq3A_56, %broadcast_in_dim3A_58, %select_n3A_33 : vector<4096x1024xi1>, vector<4096x1024xf32>
    %reduce_min3A_60 = arith.constant dense<0x7F800000> : vector<1024xf32>
    %reduce_min3A_61 = vector.multi_reduction <minimumf>, %select_n3A_59, %reduce_min3A_60 [0] : vector<4096x1024xf32> to vector<1024xf32>
    %broadcast_in_dim3A_62 = vector.shape_cast %reduce_min3A_61 : vector<1024xf32> to vector<1x1024xf32>
    %eq3A_63 = vector.broadcast %broadcast_in_dim3A_62 : vector<1x1024xf32> to vector<4096x1024xf32>
    %eq3A_64 = arith.cmpf oeq, %select_n3A_59, %eq3A_63 : vector<4096x1024xf32>
    %jit3A_65 = arith.constant 1073741824 : i32
    %broadcast_in_dim3A_66 = vector.broadcast %jit3A_65 : i32 to vector<4096x1024xi32>
    %select_n3A_67 = arith.select %eq3A_64, %iota3A, %broadcast_in_dim3A_66 : vector<4096x1024xi1>, vector<4096x1024xi32>
    %reduce_min3A_68 = arith.constant dense<2147483647> : vector<1024xi32>
    %reduce_min3A_69 = vector.multi_reduction <minsi>, %select_n3A_67, %reduce_min3A_68 [0] : vector<4096x1024xi32> to vector<1024xi32>
    %broadcast_in_dim3A_70 = vector.shape_cast %reduce_min3A_69 : vector<1024xi32> to vector<1x1024xi32>
    %swap3A_71 = arith.constant 7 : index
    %swap3A_72 = arith.constant 0 : index
    %swap3A_73 = vector.load %arg5[%swap3A_71, %swap3A_72] : memref<16x1024xf32, #tpu.memory_space<vmem>>, vector<1x1024xf32>
    tpu.vector_store %arg5[%swap3A_71, %swap3A_72], %broadcast_in_dim3A_62 {strides = array<i32>} : memref<16x1024xf32, #tpu.memory_space<vmem>>, vector<1x1024xf32>,
    %mul3A_74 = arith.constant 4096 : i32
    %mul3A_75 = arith.muli %arg0, %mul3A_74 : i32
    %add3A_76 = vector.broadcast %mul3A_75 : i32 to vector<1x1024xi32>
    %add3A_77 = arith.addi %broadcast_in_dim3A_70, %add3A_76 : vector<1x1024xi32>
    %swap3A_78 = arith.constant 7 : index
    %swap3A_79 = arith.constant 0 : index
    %swap3A_80 = vector.load %arg6[%swap3A_78, %swap3A_79] : memref<16x1024xi32, #tpu.memory_space<vmem>>, vector<1x1024xi32>
    tpu.vector_store %arg6[%swap3A_78, %swap3A_79], %add3A_77 {strides = array<i32>} : memref<16x1024xi32, #tpu.memory_space<vmem>>, vector<1x1024xi32>,
    %eq3A_81 = vector.broadcast %broadcast_in_dim3A_62 : vector<1x1024xf32> to vector<4096x1024xf32>
    %eq3A_82 = arith.cmpf oeq, %select_n3A_59, %eq3A_81 : vector<4096x1024xf32>
    %jit3A_83 = arith.constant 0x7F800000 : f32
    %broadcast_in_dim3A_84 = vector.broadcast %jit3A_83 : f32 to vector<4096x1024xf32>
    %select_n3A_85 = arith.select %eq3A_82, %broadcast_in_dim3A_84, %select_n3A_59 : vector<4096x1024xi1>, vector<4096x1024xf32>
    %reduce_min3A_86 = arith.constant dense<0x7F800000> : vector<1024xf32>
    %reduce_min3A_87 = vector.multi_reduction <minimumf>, %select_n3A_85, %reduce_min3A_86 [0] : vector<4096x1024xf32> to vector<1024xf32>
    %broadcast_in_dim3A_88 = vector.shape_cast %reduce_min3A_87 : vector<1024xf32> to vector<1x1024xf32>
    %eq3A_89 = vector.broadcast %broadcast_in_dim3A_88 : vector<1x1024xf32> to vector<4096x1024xf32>
    %eq3A_90 = arith.cmpf oeq, %select_n3A_85, %eq3A_89 : vector<4096x1024xf32>
    %jit3A_91 = arith.constant 1073741824 : i32
    %broadcast_in_dim3A_92 = vector.broadcast %jit3A_91 : i32 to vector<4096x1024xi32>
    %select_n3A_93 = arith.select %eq3A_90, %iota3A, %broadcast_in_dim3A_92 : vector<4096x1024xi1>, vector<4096x1024xi32>
    %reduce_min3A_94 = arith.constant dense<2147483647> : vector<1024xi32>
    %reduce_min3A_95 = vector.multi_reduction <minsi>, %select_n3A_93, %reduce_min3A_94 [0] : vector<4096x1024xi32> to vector<1024xi32>
    %broadcast_in_dim3A_96 = vector.shape_cast %reduce_min3A_95 : vector<1024xi32> to vector<1x1024xi32>
    %swap3A_97 = arith.constant 8 : index
    %swap3A_98 = arith.constant 0 : index
    %swap3A_99 = vector.load %arg5[%swap3A_97, %swap3A_98] : memref<16x1024xf32, #tpu.memory_space<vmem>>, vector<1x1024xf32>
    tpu.vector_store %arg5[%swap3A_97, %swap3A_98], %broadcast_in_dim3A_88 {strides = array<i32>} : memref<16x1024xf32, #tpu.memory_space<vmem>>, vector<1x1024xf32>,
    %mul3A_100 = arith.constant 4096 : i32
    %mul3A_101 = arith.muli %arg0, %mul3A_100 : i32
    %add3A_102 = vector.broadcast %mul3A_101 : i32 to vector<1x1024xi32>
    %add3A_103 = arith.addi %broadcast_in_dim3A_96, %add3A_102 : vector<1x1024xi32>
    %swap3A_104 = arith.constant 8 : index
    %swap3A_105 = arith.constant 0 : index
    %swap3A_106 = vector.load %arg6[%swap3A_104, %swap3A_105] : memref<16x1024xi32, #tpu.memory_space<vmem>>, vector<1x1024xi32>
    tpu.vector_store %arg6[%swap3A_104, %swap3A_105], %add3A_103 {strides = array<i32>} : memref<16x1024xi32, #tpu.memory_space<vmem>>, vector<1x1024xi32>,
    %eq3A_107 = vector.broadcast %broadcast_in_dim3A_88 : vector<1x1024xf32> to vector<4096x1024xf32>
    %eq3A_108 = arith.cmpf oeq, %select_n3A_85, %eq3A_107 : vector<4096x1024xf32>
    %jit3A_109 = arith.constant 0x7F800000 : f32
    %broadcast_in_dim3A_110 = vector.broadcast %jit3A_109 : f32 to vector<4096x1024xf32>
    %select_n3A_111 = arith.select %eq3A_108, %broadcast_in_dim3A_110, %select_n3A_85 : vector<4096x1024xi1>, vector<4096x1024xf32>
    %reduce_min3A_112 = arith.constant dense<0x7F800000> : vector<1024xf32>
    %reduce_min3A_113 = vector.multi_reduction <minimumf>, %select_n3A_111, %reduce_min3A_112 [0] : vector<4096x1024xf32> to vector<1024xf32>
    %broadcast_in_dim3A_114 = vector.shape_cast %reduce_min3A_113 : vector<1024xf32> to vector<1x1024xf32>
    %eq3A_115 = vector.broadcast %broadcast_in_dim3A_114 : vector<1x1024xf32> to vector<4096x1024xf32>
    %eq3A_116 = arith.cmpf oeq, %select_n3A_111, %eq3A_115 : vector<4096x1024xf32>
    %jit3A_117 = arith.constant 1073741824 : i32
    %broadcast_in_dim3A_118 = vector.broadcast %jit3A_117 : i32 to vector<4096x1024xi32>
    %select_n3A_119 = arith.select %eq3A_116, %iota3A, %broadcast_in_dim3A_118 : vector<4096x1024xi1>, vector<4096x1024xi32>
    %reduce_min3A_120 = arith.constant dense<2147483647> : vector<1024xi32>
    %reduce_min3A_121 = vector.multi_reduction <minsi>, %select_n3A_119, %reduce_min3A_120 [0] : vector<4096x1024xi32> to vector<1024xi32>
    %broadcast_in_dim3A_122 = vector.shape_cast %reduce_min3A_121 : vector<1024xi32> to vector<1x1024xi32>
    %swap3A_123 = arith.constant 9 : index
    %swap3A_124 = arith.constant 0 : index
    %swap3A_125 = vector.load %arg5[%swap3A_123, %swap3A_124] : memref<16x1024xf32, #tpu.memory_space<vmem>>, vector<1x1024xf32>
    tpu.vector_store %arg5[%swap3A_123, %swap3A_124], %broadcast_in_dim3A_114 {strides = array<i32>} : memref<16x1024xf32, #tpu.memory_space<vmem>>, vector<1x1024xf32>,
    %mul3A_126 = arith.constant 4096 : i32
    %mul3A_127 = arith.muli %arg0, %mul3A_126 : i32
    %add3A_128 = vector.broadcast %mul3A_127 : i32 to vector<1x1024xi32>
    %add3A_129 = arith.addi %broadcast_in_dim3A_122, %add3A_128 : vector<1x1024xi32>
    %swap3A_130 = arith.constant 9 : index
    %swap3A_131 = arith.constant 0 : index
    %swap3A_132 = vector.load %arg6[%swap3A_130, %swap3A_131] : memref<16x1024xi32, #tpu.memory_space<vmem>>, vector<1x1024xi32>
    tpu.vector_store %arg6[%swap3A_130, %swap3A_131], %add3A_129 {strides = array<i32>} : memref<16x1024xi32, #tpu.memory_space<vmem>>, vector<1x1024xi32>,
    %get3A_133 = arith.constant 0 : index
    %get3A_134 = arith.constant 0 : index
    %get3A_135 = vector.load %arg5[%get3A_133, %get3A_134] : memref<16x1024xf32, #tpu.memory_space<vmem>>, vector<16x1024xf32>
    %get3A_136 = arith.constant 0 : index
    %get3A_137 = arith.constant 0 : index
    %get3A_138 = vector.load %arg6[%get3A_136, %get3A_137] : memref<16x1024xi32, #tpu.memory_space<vmem>>, vector<16x1024xi32>
    %iota3A_139 = tpu.iota {dimensions = array<i32: 0>} : vector<16x1024xi32>
    %reduce_min3A_140 = arith.constant dense<0x7F800000> : vector<1024xf32>
    %reduce_min3A_141 = vector.multi_reduction <minimumf>, %get3A_135, %reduce_min3A_140 [0] : vector<16x1024xf32> to vector<1024xf32>
    %broadcast_in_dim3A_142 = vector.shape_cast %reduce_min3A_141 : vector<1024xf32> to vector<1x1024xf32>
    %eq3A_143 = vector.broadcast %broadcast_in_dim3A_142 : vector<1x1024xf32> to vector<16x1024xf32>
    %eq3A_144 = arith.cmpf oeq, %get3A_135, %eq3A_143 : vector<16x1024xf32>
    %jit3A_145 = arith.constant 1073741824 : i32
    %broadcast_in_dim3A_146 = vector.broadcast %jit3A_145 : i32 to vector<16x1024xi32>
    %select_n3A_147 = arith.select %eq3A_144, %iota3A_139, %broadcast_in_dim3A_146 : vector<16x1024xi1>, vector<16x1024xi32>
    %reduce_min3A_148 = arith.constant dense<2147483647> : vector<1024xi32>
    %reduce_min3A_149 = vector.multi_reduction <minsi>, %select_n3A_147, %reduce_min3A_148 [0] : vector<16x1024xi32> to vector<1024xi32>
    %broadcast_in_dim3A_150 = vector.shape_cast %reduce_min3A_149 : vector<1024xi32> to vector<1x1024xi32>
    %eq3A_151 = vector.broadcast %broadcast_in_dim3A_150 : vector<1x1024xi32> to vector<16x1024xi32>
    %eq3A_152 = arith.cmpi eq, %iota3A_139, %eq3A_151 : vector<16x1024xi32>
    %jit3A_153 = arith.constant 1073741824 : i32
    %broadcast_in_dim3A_154 = vector.broadcast %jit3A_153 : i32 to vector<16x1024xi32>
    %select_n3A_155 = arith.select %eq3A_152, %get3A_138, %broadcast_in_dim3A_154 : vector<16x1024xi1>, vector<16x1024xi32>
    %reduce_min3A_156 = arith.constant dense<2147483647> : vector<1024xi32>
    %reduce_min3A_157 = vector.multi_reduction <minsi>, %select_n3A_155, %reduce_min3A_156 [0] : vector<16x1024xi32> to vector<1024xi32>
    %broadcast_in_dim3A_158 = vector.shape_cast %reduce_min3A_157 : vector<1024xi32> to vector<1x1024xi32>
    %jit3A_159 = arith.constant 0x7F800000 : f32
    %broadcast_in_dim3A_160 = vector.broadcast %jit3A_159 : f32 to vector<16x1024xf32>
    %select_n3A_161 = arith.select %eq3A_152, %broadcast_in_dim3A_160, %get3A_135 : vector<16x1024xi1>, vector<16x1024xf32>
    %reduce_min3A_162 = arith.constant dense<0x7F800000> : vector<1024xf32>
    %reduce_min3A_163 = vector.multi_reduction <minimumf>, %select_n3A_161, %reduce_min3A_162 [0] : vector<16x1024xf32> to vector<1024xf32>
    %broadcast_in_dim3A_164 = vector.shape_cast %reduce_min3A_163 : vector<1024xf32> to vector<1x1024xf32>
    %eq3A_165 = vector.broadcast %broadcast_in_dim3A_164 : vector<1x1024xf32> to vector<16x1024xf32>
    %eq3A_166 = arith.cmpf oeq, %select_n3A_161, %eq3A_165 : vector<16x1024xf32>
    %jit3A_167 = arith.constant 1073741824 : i32
    %broadcast_in_dim3A_168 = vector.broadcast %jit3A_167 : i32 to vector<16x1024xi32>
    %select_n3A_169 = arith.select %eq3A_166, %iota3A_139, %broadcast_in_dim3A_168 : vector<16x1024xi1>, vector<16x1024xi32>
    %reduce_min3A_170 = arith.constant dense<2147483647> : vector<1024xi32>
    %reduce_min3A_171 = vector.multi_reduction <minsi>, %select_n3A_169, %reduce_min3A_170 [0] : vector<16x1024xi32> to vector<1024xi32>
    %broadcast_in_dim3A_172 = vector.shape_cast %reduce_min3A_171 : vector<1024xi32> to vector<1x1024xi32>
    %eq3A_173 = vector.broadcast %broadcast_in_dim3A_172 : vector<1x1024xi32> to vector<16x1024xi32>
    %eq3A_174 = arith.cmpi eq, %iota3A_139, %eq3A_173 : vector<16x1024xi32>
    %jit3A_175 = arith.constant 1073741824 : i32
    %broadcast_in_dim3A_176 = vector.broadcast %jit3A_175 : i32 to vector<16x1024xi32>
    %select_n3A_177 = arith.select %eq3A_174, %get3A_138, %broadcast_in_dim3A_176 : vector<16x1024xi1>, vector<16x1024xi32>
    %reduce_min3A_178 = arith.constant dense<2147483647> : vector<1024xi32>
    %reduce_min3A_179 = vector.multi_reduction <minsi>, %select_n3A_177, %reduce_min3A_178 [0] : vector<16x1024xi32> to vector<1024xi32>
    %broadcast_in_dim3A_180 = vector.shape_cast %reduce_min3A_179 : vector<1024xi32> to vector<1x1024xi32>
    %jit3A_181 = arith.constant 0x7F800000 : f32
    %broadcast_in_dim3A_182 = vector.broadcast %jit3A_181 : f32 to vector<16x1024xf32>
    %select_n3A_183 = arith.select %eq3A_174, %broadcast_in_dim3A_182, %select_n3A_161 : vector<16x1024xi1>, vector<16x1024xf32>
    %reduce_min3A_184 = arith.constant dense<0x7F800000> : vector<1024xf32>
    %reduce_min3A_185 = vector.multi_reduction <minimumf>, %select_n3A_183, %reduce_min3A_184 [0] : vector<16x1024xf32> to vector<1024xf32>
    %broadcast_in_dim3A_186 = vector.shape_cast %reduce_min3A_185 : vector<1024xf32> to vector<1x1024xf32>
    %eq3A_187 = vector.broadcast %broadcast_in_dim3A_186 : vector<1x1024xf32> to vector<16x1024xf32>
    %eq3A_188 = arith.cmpf oeq, %select_n3A_183, %eq3A_187 : vector<16x1024xf32>
    %jit3A_189 = arith.constant 1073741824 : i32
    %broadcast_in_dim3A_190 = vector.broadcast %jit3A_189 : i32 to vector<16x1024xi32>
    %select_n3A_191 = arith.select %eq3A_188, %iota3A_139, %broadcast_in_dim3A_190 : vector<16x1024xi1>, vector<16x1024xi32>
    %reduce_min3A_192 = arith.constant dense<2147483647> : vector<1024xi32>
    %reduce_min3A_193 = vector.multi_reduction <minsi>, %select_n3A_191, %reduce_min3A_192 [0] : vector<16x1024xi32> to vector<1024xi32>
    %broadcast_in_dim3A_194 = vector.shape_cast %reduce_min3A_193 : vector<1024xi32> to vector<1x1024xi32>
    %eq3A_195 = vector.broadcast %broadcast_in_dim3A_194 : vector<1x1024xi32> to vector<16x1024xi32>
    %eq3A_196 = arith.cmpi eq, %iota3A_139, %eq3A_195 : vector<16x1024xi32>
    %jit3A_197 = arith.constant 1073741824 : i32
    %broadcast_in_dim3A_198 = vector.broadcast %jit3A_197 : i32 to vector<16x1024xi32>
    %select_n3A_199 = arith.select %eq3A_196, %get3A_138, %broadcast_in_dim3A_198 : vector<16x1024xi1>, vector<16x1024xi32>
    %reduce_min3A_200 = arith.constant dense<2147483647> : vector<1024xi32>
    %reduce_min3A_201 = vector.multi_reduction <minsi>, %select_n3A_199, %reduce_min3A_200 [0] : vector<16x1024xi32> to vector<1024xi32>
    %broadcast_in_dim3A_202 = vector.shape_cast %reduce_min3A_201 : vector<1024xi32> to vector<1x1024xi32>
    %jit3A_203 = arith.constant 0x7F800000 : f32
    %broadcast_in_dim3A_204 = vector.broadcast %jit3A_203 : f32 to vector<16x1024xf32>
    %select_n3A_205 = arith.select %eq3A_196, %broadcast_in_dim3A_204, %select_n3A_183 : vector<16x1024xi1>, vector<16x1024xf32>
    %reduce_min3A_206 = arith.constant dense<0x7F800000> : vector<1024xf32>
    %reduce_min3A_207 = vector.multi_reduction <minimumf>, %select_n3A_205, %reduce_min3A_206 [0] : vector<16x1024xf32> to vector<1024xf32>
    %broadcast_in_dim3A_208 = vector.shape_cast %reduce_min3A_207 : vector<1024xf32> to vector<1x1024xf32>
    %eq3A_209 = vector.broadcast %broadcast_in_dim3A_208 : vector<1x1024xf32> to vector<16x1024xf32>
    %eq3A_210 = arith.cmpf oeq, %select_n3A_205, %eq3A_209 : vector<16x1024xf32>
    %jit3A_211 = arith.constant 1073741824 : i32
    %broadcast_in_dim3A_212 = vector.broadcast %jit3A_211 : i32 to vector<16x1024xi32>
    %select_n3A_213 = arith.select %eq3A_210, %iota3A_139, %broadcast_in_dim3A_212 : vector<16x1024xi1>, vector<16x1024xi32>
    %reduce_min3A_214 = arith.constant dense<2147483647> : vector<1024xi32>
    %reduce_min3A_215 = vector.multi_reduction <minsi>, %select_n3A_213, %reduce_min3A_214 [0] : vector<16x1024xi32> to vector<1024xi32>
    %broadcast_in_dim3A_216 = vector.shape_cast %reduce_min3A_215 : vector<1024xi32> to vector<1x1024xi32>
    %eq3A_217 = vector.broadcast %broadcast_in_dim3A_216 : vector<1x1024xi32> to vector<16x1024xi32>
    %eq3A_218 = arith.cmpi eq, %iota3A_139, %eq3A_217 : vector<16x1024xi32>
    %jit3A_219 = arith.constant 1073741824 : i32
    %broadcast_in_dim3A_220 = vector.broadcast %jit3A_219 : i32 to vector<16x1024xi32>
    %select_n3A_221 = arith.select %eq3A_218, %get3A_138, %broadcast_in_dim3A_220 : vector<16x1024xi1>, vector<16x1024xi32>
    %reduce_min3A_222 = arith.constant dense<2147483647> : vector<1024xi32>
    %reduce_min3A_223 = vector.multi_reduction <minsi>, %select_n3A_221, %reduce_min3A_222 [0] : vector<16x1024xi32> to vector<1024xi32>
    %broadcast_in_dim3A_224 = vector.shape_cast %reduce_min3A_223 : vector<1024xi32> to vector<1x1024xi32>
    %jit3A_225 = arith.constant 0x7F800000 : f32
    %broadcast_in_dim3A_226 = vector.broadcast %jit3A_225 : f32 to vector<16x1024xf32>
    %select_n3A_227 = arith.select %eq3A_218, %broadcast_in_dim3A_226, %select_n3A_205 : vector<16x1024xi1>, vector<16x1024xf32>
    %reduce_min3A_228 = arith.constant dense<0x7F800000> : vector<1024xf32>
    %reduce_min3A_229 = vector.multi_reduction <minimumf>, %select_n3A_227, %reduce_min3A_228 [0] : vector<16x1024xf32> to vector<1024xf32>
    %broadcast_in_dim3A_230 = vector.shape_cast %reduce_min3A_229 : vector<1024xf32> to vector<1x1024xf32>
    %eq3A_231 = vector.broadcast %broadcast_in_dim3A_230 : vector<1x1024xf32> to vector<16x1024xf32>
    %eq3A_232 = arith.cmpf oeq, %select_n3A_227, %eq3A_231 : vector<16x1024xf32>
    %jit3A_233 = arith.constant 1073741824 : i32
    %broadcast_in_dim3A_234 = vector.broadcast %jit3A_233 : i32 to vector<16x1024xi32>
    %select_n3A_235 = arith.select %eq3A_232, %iota3A_139, %broadcast_in_dim3A_234 : vector<16x1024xi1>, vector<16x1024xi32>
    %reduce_min3A_236 = arith.constant dense<2147483647> : vector<1024xi32>
    %reduce_min3A_237 = vector.multi_reduction <minsi>, %select_n3A_235, %reduce_min3A_236 [0] : vector<16x1024xi32> to vector<1024xi32>
    %broadcast_in_dim3A_238 = vector.shape_cast %reduce_min3A_237 : vector<1024xi32> to vector<1x1024xi32>
    %eq3A_239 = vector.broadcast %broadcast_in_dim3A_238 : vector<1x1024xi32> to vector<16x1024xi32>
    %eq3A_240 = arith.cmpi eq, %iota3A_139, %eq3A_239 : vector<16x1024xi32>
    %jit3A_241 = arith.constant 1073741824 : i32
    %broadcast_in_dim3A_242 = vector.broadcast %jit3A_241 : i32 to vector<16x1024xi32>
    %select_n3A_243 = arith.select %eq3A_240, %get3A_138, %broadcast_in_dim3A_242 : vector<16x1024xi1>, vector<16x1024xi32>
    %reduce_min3A_244 = arith.constant dense<2147483647> : vector<1024xi32>
    %reduce_min3A_245 = vector.multi_reduction <minsi>, %select_n3A_243, %reduce_min3A_244 [0] : vector<16x1024xi32> to vector<1024xi32>
    %broadcast_in_dim3A_246 = vector.shape_cast %reduce_min3A_245 : vector<1024xi32> to vector<1x1024xi32>
    %broadcast_in_dim3A_247 = arith.constant 0x7F800000 : f32
    %broadcast_in_dim3A_248 = vector.broadcast %broadcast_in_dim3A_247 : f32 to vector<11x1024xf32>
    %concatenate3A = tpu.concatenate %broadcast_in_dim3A_142, %broadcast_in_dim3A_164, %broadcast_in_dim3A_186, %broadcast_in_dim3A_208, %broadcast_in_dim3A_230, %broadcast_in_dim3A_248 in 0 : vector<1x1024xf32>, vector<1x1024xf32>, vector<1x1024xf32>, vector<1x1024xf32>, vector<1x1024xf32>, vector<11x1024xf32> -> vector<16x1024xf32>
    %swap3A_249 = arith.constant 0 : index
    %swap3A_250 = arith.constant 0 : index
    %swap3A_251 = vector.load %arg5[%swap3A_249, %swap3A_250] : memref<16x1024xf32, #tpu.memory_space<vmem>>, vector<16x1024xf32>
    tpu.vector_store %arg5[%swap3A_249, %swap3A_250], %concatenate3A {strides = array<i32>} : memref<16x1024xf32, #tpu.memory_space<vmem>>, vector<16x1024xf32>,
    %broadcast_in_dim3A_252 = arith.constant 0 : i32
    %broadcast_in_dim3A_253 = vector.broadcast %broadcast_in_dim3A_252 : i32 to vector<11x1024xi32>
    %concatenate3A_254 = tpu.concatenate %broadcast_in_dim3A_158, %broadcast_in_dim3A_180, %broadcast_in_dim3A_202, %broadcast_in_dim3A_224, %broadcast_in_dim3A_246, %broadcast_in_dim3A_253 in 0 : vector<1x1024xi32>, vector<1x1024xi32>, vector<1x1024xi32>, vector<1x1024xi32>, vector<1x1024xi32>, vector<11x1024xi32> -> vector<16x1024xi32>
    %swap3A_255 = arith.constant 0 : index
    %swap3A_256 = arith.constant 0 : index
    %swap3A_257 = vector.load %arg6[%swap3A_255, %swap3A_256] : memref<16x1024xi32, #tpu.memory_space<vmem>>, vector<16x1024xi32>
    tpu.vector_store %arg6[%swap3A_255, %swap3A_256], %concatenate3A_254 {strides = array<i32>} : memref<16x1024xi32, #tpu.memory_space<vmem>>, vector<16x1024xi32>,
    %eq3A_258 = arith.constant 3 : i32
    %eq3A_259 = arith.cmpi eq, %arg0, %eq3A_258 : i32
    %convert_element_type3A_260 = arith.extui %eq3A_259 : i1 to i32
    %cond3A_261 = arith.constant 0 : i32
    %cond3A_262 = arith.cmpi ne, %convert_element_type3A_260, %cond3A_261 : i32
    scf.if %cond3A_262 {
      %mul3A_263 = arith.mulf %get3A_6, %get3A_6 : vector<1024x256xf32>
      %reduce_sum3A_264 = arith.constant dense<0.000000e+00> : vector<1024xf32>
      %reduce_sum3A_265 = vector.multi_reduction <add>, %mul3A_263, %reduce_sum3A_264 [1] : vector<1024x256xf32> to vector<1024xf32>
      %broadcast_in_dim3A_266 = vector.shape_cast %reduce_sum3A_265 : vector<1024xf32> to vector<1x1024xf32>
      %get3A_267 = arith.constant 0 : index
      %get3A_268 = arith.constant 0 : index
      %get3A_269 = vector.load %arg5[%get3A_267, %get3A_268] : memref<16x1024xf32, #tpu.memory_space<vmem>>, vector<8x1024xf32>
      %add3A_270 = vector.broadcast %broadcast_in_dim3A_266 : vector<1x1024xf32> to vector<8x1024xf32>
      %add3A_271 = arith.addf %get3A_269, %add3A_270 : vector<8x1024xf32>
      %max3A = arith.constant 0.000000e+00 : f32
      %max3A_272 = vector.broadcast %max3A : f32 to vector<8x1024xf32>
      %max3A_273 = arith.maximumf %add3A_271, %max3A_272 : vector<8x1024xf32>
      %sqrt3A = math.sqrt %max3A_273 : vector<8x1024xf32>
      %div3A = arith.constant 1.000000e+00 : f32
      %div3A_274 = vector.broadcast %div3A : f32 to vector<8x1024xf32>
      %div3A_275 = arith.divf %div3A_274, %sqrt3A : vector<8x1024xf32>
      %swap3A_276 = arith.constant 0 : index
      %swap3A_277 = arith.constant 0 : index
      %swap3A_278 = vector.load %arg3[%swap3A_276, %swap3A_277] : memref<8x1024xf32, #tpu.memory_space<vmem>>, vector<8x1024xf32>
      tpu.vector_store %arg3[%swap3A_276, %swap3A_277], %div3A_275 {strides = array<i32>} : memref<8x1024xf32, #tpu.memory_space<vmem>>, vector<8x1024xf32>,
      %get3A_279 = arith.constant 0 : index
      %get3A_280 = arith.constant 0 : index
      %get3A_281 = vector.load %arg6[%get3A_279, %get3A_280] : memref<16x1024xi32, #tpu.memory_space<vmem>>, vector<8x1024xi32>
      %swap3A_282 = arith.constant 0 : index
      %swap3A_283 = arith.constant 0 : index
      %swap3A_284 = vector.load %arg4[%swap3A_282, %swap3A_283] : memref<8x1024xi32, #tpu.memory_space<vmem>>, vector<8x1024xi32>
      tpu.vector_store %arg4[%swap3A_282, %swap3A_283], %get3A_281 {strides = array<i32>} : memref<8x1024xi32, #tpu.memory_space<vmem>>, vector<8x1024xi32>,
    } else {
    }
    return
  }
  func.func @transform_0(%arg0: i32) -> (i32, i32) {
    %c0_i32 = arith.constant 0 : i32
    %c0_i32_0 = arith.constant 0 : i32
    %c0_i32_1 = arith.constant 0 : i32
    return %c0_i32, %c0_i32_0 : i32, i32
  }
  func.func @transform_1(%arg0: i32) -> (i32, i32) {
    %c0_i32 = arith.constant 0 : i32
    %c0_i32_0 = arith.constant 0 : i32
    return %arg0, %c0_i32 : i32, i32
  }
  func.func @transform_2(%arg0: i32) -> (i32, i32) {
    %c0_i32 = arith.constant 0 : i32
    %c0_i32_0 = arith.constant 0 : i32
    %c0_i32_1 = arith.constant 0 : i32
    return %c0_i32, %c0_i32_0 : i32, i32
  }
  func.func @transform_3(%arg0: i32) -> (i32, i32) {
    %c0_i32 = arith.constant 0 : i32
    %c0_i32_0 = arith.constant 0 : i32
    %c0_i32_1 = arith.constant 0 : i32
    return %c0_i32, %c0_i32_0 : i32, i32
  }
}

</mosaic_0001>

<sc_bundles>
// kernel: kernel.4.cloned.1.call-start
scs
__scs_entry_jumppad:
0x0: {  	(pc) =	sbr.rel $0x88, $3  }
0x1: {  	(tag) =	ssettag $0x0;
	lr =	simm.s32 $0x1  }
0x2: {  	[smem:$0x3F9D] =	sst lr;
	_ =	strace $0xD0000000  }
0x3: {  	_ = 	snop  }
0x4: {  	_ = 	snop  }
0x5: {  	_ = 	snop  }
0x6: {  	_ = 	snop  }
0x7: {  	_ = 	snop  }
__scs_overlays_trampoline_lowered:
0x8: {  	[smem:$0x3FAC] =	sst s0  }
0x9: {  	[smem:$0x3FAD] =	sst s1  }
0xa: {  	[smem:$0x3FAE] =	sst s2  }
0xb: {  	[smem:$0x3FAF] =	sst s3  }
0xc: {  	[smem:$0x3FB0] =	sst s4  }
0xd: {  	[smem:$0x3FB1] =	sst s5  }
0xe: {  	[smem:$0x3FB2] =	sst s6  }
0xf: {  	[smem:$0x3FB3] =	sst s7  }
0x10: {  	[smem:$0x3FB4] =	sst s8  }
0x11: {  	[smem:$0x3FB5] =	sst s9;
	s0 =	simm.s32 @!p0 $0x0  }
0x12: {  	s1 =	sld [smem:$0x3F9B];
	s0 =	simm.s32 @p0 $0x1  }
0x13: {  	[smem:$0x3FB6] =	sst s0;
	s0 =	simm.s32 @!p1 $0x0  }
0x14: {  	s2 =	sld [smem:$0x3F9A];
	s0 =	simm.s32 @p1 $0x1  }
0x15: {  	[smem:$0x3FB7] =	sst s0;
	s0 =	simm.s32 @!p2 $0x0  }
0x16: {  	s3 =	sld [smem:$0x3FDB];
	s0 =	simm.s32 @p2 $0x1  }
0x17: {  	s4 =	simm.s32 $0x1BF5;
	[smem:$0x3FB9] =	sst s0  }
0x18: {  	s0 =	sld [smem:$0x3F9C];
	_ =	swait.ge [sflag:s4], $0x0  }
0x19: {  	s7 =	sld [smem:$0x3F9D]  }
0x1a: {  	s8 =	sadd.s32 $0xFFFFE003, lr  }
0x1b: {  	s9 =	sadd.s32 $0xFFFFFEF7, lr;
	s5 =	simm.s32 $0xFFFFFFFF;
	p2 =	slt.u32 s8, $0xFFFFF086  }
0x1c: {  	p1 =	slt.u32 s9, $0xF7A;
	s5 =	simm.s32 @!p2 $0x0  }
0x1d: {  	s5 =	simm.s32 @p1 $0x1;
	p0 =	seq.s32 s7, s2  }
0x1e: {  	s7 =	smul.u32 @!p0 $0xF7A, s2;
	p2 =	seq.s32 @!p0 s5, $0x0  }
0x1f: {  	s9 =	smul.u32 $0xF7A, s1;
	s8 =	simm.s32 @!p0 $0x1BF5;
	p2 =	por !p2, p0  }
0x20: {  	[sflag:s8] =	ssyncset.s32 @!p0 $0xFFFFF086;
	s6 =	sadd.s32 @!p0 s3, s7;
	s7 =	simm.s32 @!p0 $0x108  }
0x21: {  	s3 =	sadd.s32 s3, s9;
	s6 =	sadd.s32 @!p0 $0x88, s6;
	s7 =	simm.s32 @p2 $0x1082  }
0x22: {  	[simem:s7], [sflag:s8] =	dma.local @!p0 [hbm:s6], $0xF7A  }
0x23: {  	s9 =	sor.u32 $0xD0000000, s2;
	s6 =	simm.s32 $0x108;
	_ =	swait.ge @!p0 [sflag:s8], $0x0  }
0x24: {  	s3 =	sadd.s32 $0x88, s3;
	s6 =	simm.s32 @!p1 $0x1082;
	[sflag:s4] =	ssyncset.s32 $0xFFFFF086  }
0x25: {  	[simem:s6], [sflag:s4] =	dma.local [hbm:s3], $0xF7A  }
0x26: {  	[smem:$0x3F9D] =	sst s1;
	(tag) =	ssettag s2;
	_ =	strace s9  }
0x27: {  	s1 =	sld [smem:$0x3FAD]  }
0x28: {  	s2 =	sld [smem:$0x3FAE]  }
0x29: {  	s4 =	sld [smem:$0x3FB0]  }
0x2a: {  	p0 =	seq.s32 s5, $0x0;
	s5 =	sld [smem:$0x3FB1]  }
0x2b: {  	s6 =	sld [smem:$0x3FB2]  }
0x2c: {  	s7 =	sld [smem:$0x3FB3]  }
0x2d: {  	s3 =	simm.s32 $0x108;
	s8 =	sld [smem:$0x3FB4]  }
0x2e: {  	s3 =	simm.s32 @!p0 $0x1082;
	s9 =	sld [smem:$0x3FB5]  }
0x2f: {  	lr =	sadd.s32 s0, s3;
	s0 =	sld [smem:$0x3FAC]  }
0x30: {  	s3 =	sld [smem:$0x3FAF]  }
0x31: {  	[smem:$0x3FB8] =	sst s10  }
0x32: {  	s10 =	sld [smem:$0x3FB6];
	_ =	sdelay $0x3  }
0x33: {  	p0 =	seq.s32 s10, $0x1;
	s10 =	sld [smem:$0x3FB8];
	_ =	sdelay $0x3  }
0x34: {  	[smem:$0x3FB8] =	sst s10  }
0x35: {  	s10 =	sld [smem:$0x3FB7];
	_ =	sdelay $0x3  }
0x36: {  	p1 =	seq.s32 s10, $0x1;
	s10 =	sld [smem:$0x3FB8];
	_ =	sdelay $0x3  }
0x37: {  	[smem:$0x3FB8] =	sst s10  }
0x38: {  	s10 =	sld [smem:$0x3FB9]  }
0x39: {  	_ = 	snop;
	(pc) =	sbr.ind lr, $3  }
0x3a: {  	_ = 	snop  }
0x3b: {  	_ = 	snop  }
0x3c: {  	p2 =	seq.s32 s10, $0x1;
	s10 =	sld [smem:$0x3FB8]  }
0x3d: {  	_ =	shalt  }
0x3e: {  	_ =	shalt  }
0x3f: {  	_ =	shalt  }
0x40: {  	_ =	shalt  }
0x41: {  	_ =	shalt  }
0x42: {  	_ =	shalt  }
0x43: {  	_ =	shalt  }
0x44: {  	_ =	shalt  }
0x45: {  	_ =	shalt  }
0x46: {  	_ =	shalt  }
0x47: {  	_ =	shalt  }
0x48: {  	_ =	shalt  }
0x49: {  	_ =	shalt  }
0x4a: {  	_ =	shalt  }
0x4b: {  	_ =	shalt  }
0x4c: {  	_ =	shalt  }
0x4d: {  	_ =	shalt  }
0x4e: {  	_ =	shalt  }
0x4f: {  	_ =	shalt  }
0x50: {  	_ =	shalt  }
0x51: {  	_ =	shalt  }
0x52: {  	_ =	shalt  }
0x53: {  	_ =	shalt  }
0x54: {  	_ =	shalt  }
0x55: {  	_ =	shalt  }
0x56: {  	_ =	shalt  }
0x57: {  	_ =	shalt  }
0x58: {  	_ =	shalt  }
0x59: {  	_ =	shalt  }
0x5a: {  	_ =	shalt  }
0x5b: {  	_ =	shalt  }
0x5c: {  	_ =	shalt  }
0x5d: {  	_ =	shalt  }
0x5e: {  	_ =	shalt  }
0x5f: {  	_ =	shalt  }
0x60: {  	_ =	shalt  }
0x61: {  	_ =	shalt  }
0x62: {  	_ =	shalt  }
0x63: {  	_ =	shalt  }
0x64: {  	_ =	shalt  }
0x65: {  	_ =	shalt  }
0x66: {  	_ =	shalt  }
0x67: {  	_ =	shalt  }
0x68: {  	_ =	shalt  }
0x69: {  	_ =	shalt  }
0x6a: {  	_ =	shalt  }
0x6b: {  	_ =	shalt  }
0x6c: {  	_ =	shalt  }
0x6d: {  	_ =	shalt  }
0x6e: {  	_ =	shalt  }
0x6f: {  	_ =	shalt  }
0x70: {  	_ =	shalt  }
0x71: {  	_ =	shalt  }
0x72: {  	_ =	shalt  }
0x73: {  	_ =	shalt  }
0x74: {  	_ =	shalt  }
0x75: {  	_ =	shalt  }
0x76: {  	_ =	shalt  }
0x77: {  	_ =	shalt  }
0x78: {  	_ =	shalt  }
0x79: {  	_ =	shalt  }
0x7a: {  	_ =	shalt  }
0x7b: {  	_ =	shalt  }
0x7c: {  	_ =	shalt  }
0x7d: {  	_ =	shalt  }
0x7e: {  	_ =	shalt  }
0x7f: {  	_ =	shalt  }
0x80: {  	_ =	shalt  }
0x81: {  	_ =	shalt  }
0x82: {  	_ =	shalt  }
0x83: {  	_ =	shalt  }
0x84: {  	_ =	shalt  }
0x85: {  	_ =	shalt  }
0x86: {  	_ =	shalt  }
0x87: {  	_ =	shalt  }
.Lfunc_end0:
.L_simem_size_0:
called_computation_lowered:
.L_overlay_start_0:
0x88: {  	s2 =	sld [smem:$0x3FD9]  }
0x89: {  	s3 =	sld [smem:$0x3FFE];
	_ =	sdelay $0x1  }
0x8a: {  	s1 =	srdreg.scid  }
0x8b: {  	s0 =	sand.u32 $0x1, s1  }
0x8c: {  	s17 =	sshll.u32 s0, $0xA;
	s2 =	sadd.s32 s3, s2  }
0x8d: {  	s2 =	sadd.s32 s2, s17  }
0x8e: {  	[smem:$0x3FC4] =	sst s2  }
0x8f: {  	_ = 	snop  }
0x90: {  	s2 =	sld [smem:$0x3FC7]  }
0x91: {  	s18 =	sld [smem:$0x3FC6]  }
0x92: {  	s4 =	sld [smem:$0x3FD0];
	(tm) =	ssettm $0x1  }
0x93: {  	s5 =	sld [smem:$0x3FFB];
	_ =	sdelay $0x3  }
0x94: {  	_ =	strace s5  }
0x95: {  	s5 =	sld [smem:$0x3FFC];
	_ =	sdelay $0x3  }
0x96: {  	_ =	strace s5  }
0x97: {  	s5 =	sld [smem:$0x3FFD];
	_ =	sdelay $0x3  }
0x98: {  	_ =	strace s5  }
0x99: {  	_ =	strace $0x8FFFFFFF  }
0x9a: {  	s19 =	sld [smem:$0x3FDB];
	_ =	sdelay $0x1  }
0x9b: {  	s6 =	simm.s32 $_scs_section_size  }
0x9c: {  	s7 =	simm.s32 $_size__tile_overlayer_lowered;
	s8 =	simm.s32 $_tile_overlayer_lowered  }
0x9d: {  	s22 =	simm.s32 $0x1BFF;
	s21 =	sshll.u32 s8, $0x1;
	s5 =	sadd.s32 s6, s19  }
0x9e: {  	s9 =	simm.s32 $0x0;
	s20 =	sshll.u32 s7, $0x1;
	s7 =	sadd.s32 s21, s5  }
0x9f: {  	[timem:s9], [sflag:s22] =	dma.local [hbm:s7], s20  }
0xa0: {  	_ =	swait.ge [sflag:s22], s20  }
0xa1: {  	s6 =	ssub.s32 $0x0, s20;
	[sflag:s22] =	ssyncset.done $0x0  }
0xa2: {  	[sflag:s22] =	ssyncadd.s32 s6;
	_ =	sdelay $0x1  }
0xa3: {  	s23 =	simm.s32 $0x1B8B  }
0xa4: {  	_ =	swait.ge [sflag:s23], $0x1  }
0xa5: {  	[sflag:s23] =	ssyncset.done $0x0  }
0xa6: {  	s25 =	simm.s32 $0x1B8E;
	s24 =	sld [smem:$0x3FFE];
	[sflag:s23] =	ssyncadd.s32 $0xFFFFFFFF  }
0xa7: {  	s26 =	simm.s32 $execute0_lowered;
	[smem:$0x3FD2] =	sst s25  }
0xa8: {  	s7 =	sshll.u32 s26, $0x1;
	_ =	strace $0x80000046;
	[dreg:$0x1] =	wrdreg $0xFFFFFFFF  }
0xa9: {  	s28 =	simm.s32 $_size_execute0_lowered;
	s5 =	sadd.s32 s5, s7;
	[dreg:$0x0] =	wrdreg $0x0  }
0xaa: {  	s7 =	sshll.u32 s28, $0x1;
	[dreg:$0x2] =	wrdreg s5  }
0xab: {  	[dreg:$0x3] =	wrdreg s7  }
0xac: {  	[dreg:$0x4] =	wrdreg $0xC0  }
0xad: {  	_ =	task [dreg:s9], $0x5FFFF  }
0xae: {  	[dreg:$0x1] =	wrdreg $0xFFFFFFFF  }
0xaf: {  	[dreg:$0x0] =	wrdreg $0x60  }
0xb0: {  	[dreg:$0x2] =	wrdreg s4  }
0xb1: {  	[dreg:$0x3] =	wrdreg s24  }
0xb2: {  	[dreg:$0x4] =	wrdreg s18  }
0xb3: {  	[dreg:$0x5] =	wrdreg s2  }
0xb4: {  	[dreg:$0x6] =	wrdreg $0x9  }
0xb5: {  	_ =	task.clear_ibuf [dreg:s9], $0x7FFFF;
	_ =	strace $0x90000046  }
0xb6: {  	s29 =	simm.s32 $0x9;
	_ =	strace $0x80000048  }
0xb7: {  	_ =	swait.ge [sflag:s29], $0x1  }
0xb8: {  	[sflag:s29] =	ssyncadd.s32 $0xFFFFFFFF  }
0xb9: {  	_ =	strace $0x90000048  }
0xba: {  	_ =	sfence  }
0xbb: {  	s30 =	sld [smem:$0x0];
	_ =	sdelay $0x2  }
0xbc: {  	s31 =	sshll.u32 s1, $0xD;
	s1 =	sshrl.u32 s1, $0x2  }
0xbd: {  	s3 =	sand.u32 $0x4000, s31;
	s1 =	sadd.s32 s1, s30  }
0xbe: {  	s0 =	sor.u32 s3, s0;
	s1 =	sshll.u32 s1, $0x11  }
0xbf: {  	s0 =	sor.u32 s1, s0  }
0xc0: {  	s0 =	sadd.s32 $0x8F2B, s0  }
0xc1: {  	[sflag:s0] =	ssyncadd.remote.s32 $0x1  }
0xc2: {  	_ =	sfence.sel $0xFFFF  }
0xc3: {  	[dreg:$0x0] =	wrdreg $0xFFFFFFFF;
	(pc) =	sbr.abs _section_cstart, $3  }
0xc4: {  	[dreg:$0x1] =	wrdreg $0xFFFFFFFF  }
0xc5: {  	_ =	task.clear_ibuf [dreg:s9], $0x2FFFF;
	_ =	strace $0x9FFFFFFF  }
0xc6: {  	(tm) =	ssettm $0x7FFFFFFF  }
0xc7: {  	_ =	shalt  }
tec
execute0_lowered:
.L_overlay_start_1:
0x0: {  	(tag) =	ssettag $0x1  }
0x1: {  	s0 =	rddreg [dreg:$0x0]  }
0x2: {  	s7 =	rddreg [dreg:$0x1];
	v0 =	vimm.s32 $0x2380;
	vm0 =	vcmask $0x300  }
0x3: {  	s2 =	rddreg [dreg:$0x2];
	vm14 =	vcmask $0x704;
	v0 =	vsel vm0, $0x0, v0  }
0x4: {  	s3 =	rddreg [dreg:$0x3];
	vm15 =	vcmask $0xB08;
	v0 =	vsel vm14, $0x80, v0  }
0x5: {  	s5 =	simm.s32 $0x0;
	s6 =	srdreg.scid;
	s4 =	stileid.u32;
	vm4 =	vcmask $0xF0C;
	v0 =	vsel vm15, $0x100, v0  }
0x6: {  	vm5 =	vcmask $0x1310;
	s21 =	simm.s32 $0x4400;
	s22 =	simm.s32 $0x6400;
	s23 =	simm.s32 $0x8400;
	v0 =	vsel vm4, $0x180, v0  }
0x7: {  	vm6 =	vcmask $0x1714;
	s24 =	simm.s32 $0x4000;
	s25 =	simm.s32 $0x0;
	[smem:$0x7FF] =	sst s5;
	v0 =	vsel vm5, $0x200, v0  }
0x8: {  	vm7 =	vcmask $0x1B18;
	s8 =	sand.u32 $0x1, s6;
	s9 =	sshll.u32 s4, $0x1;
	s6 =	sadd.s32 $0xE00, s7;
	v0 =	vsel vm6, $0x280, v0  }
0x9: {  	vm8 =	vcmask $0x1F1C;
	s10 =	sshll.u32 s4, $0x9;
	s18 =	sadd.s32 $0x1200, s7;
	s11 =	sor.u32 s8, s9;
	v0 =	vsel vm7, $0x300, v0  }
0xa: {  	vm9 =	vcmask $0x2320;
	_ =	strace $0x80000047;
	s8 =	ssub.s32 $0x2, s8;
	s9 =	sshll.u32 s11, $0x5;
	v0 =	vsel vm8, $0x380, v0  }
0xb: {  	vm10 =	vcmask $0x2724;
	s30 =	sshrl.u32 s8, $0x1;
	s13 =	sshll.u32 s11, $0xC;
	s12 =	sor.u32 s10, s9;
	v0 =	vsel vm9, $0x2000, v0  }
0xc: {  	vm11 =	vcmask $0x2B28;
	s19 =	ssub.s32 s8, s30;
	s17 =	sor.u32 $0x10, s9;
	s13 =	sadd.s32 s18, s13;
	v0 =	vsel vm10, $0x2080, v0  }
0xd: {  	vm12 =	vcmask $0x2F2C;
	s7 =	sand.u32 $0x1C60, s12;
	s31 =	sor.u32 s10, s17;
	s20 =	sshll.u32 s17, $0x7;
	v0 =	vsel vm11, $0x2100, v0  }
0xe: {  	vm13 =	vcmask $0x3330;
	s19 =	smax.u32 s19, $0x1;
	s8 =	sor.u32 $0x80, s7;
	s9 =	sor.u32 $0x100, s7;
	v0 =	vsel vm12, $0x2180, v0  }
0xf: {  	vm14 =	vcmask $0x3734;
	s10 =	sor.u32 $0x180, s7;
	s11 =	sand.u32 $0x1C70, s31;
	s12 =	sor.u32 $0x200, s7;
	v0 =	vsel vm13, $0x2200, v0  }
0x10: {  	vm15 =	vcmask $0x3B38;
	s18 =	sadd.s32 s18, s20;
	s20 =	simm.s32 $0x1;
	s14 =	sor.u32 $0x80, s11;
	v1 =	vsel vm14, $0x2280, v0  }
0x11: {  	s15 =	sor.u32 $0x100, s11;
	s16 =	sor.u32 $0x180, s11;
	s17 =	sor.u32 $0x200, s11;
	v0 =	vimm.f32 $0.0e+00;
	v1 =	vsel vm15, $0x2300, v1  }
.LBB2_1:
0x12: {  	[tilespmem:s5], [sflag:$0x1] =	stream.linear.gather [hbm4b:s2+s5], $0x4000, $0x38;
	[tilespmem:$0xC400] =	vst v63  }
0x13: {  	_ =	swait.ge [sflag:s20], $0x4000  }
0x14: {  	[sflag:s20] =	ssyncset.done $0x0  }
0x15: {  	[sflag:s20] =	ssyncadd.s32 $0xFFFFC000  }
0x16: {  	[tilespmem:s24], [sflag:$0x1] =	stream.linear.gather [hbm4b:s3+s5], $0x3E8, $0x38;
	[tilespmem:$0xC400] =	vst v63  }
0x17: {  	_ =	swait.ge [sflag:s20], $0x3E8  }
0x18: {  	[sflag:s20] =	ssyncset.done $0x0  }
0x19: {  	[sflag:s20] =	ssyncadd.s32 $0xFFFFFC18  }
0x1a: {  	[tilespmem:s21], [sflag:$0x1] =	stream.linear.gather [hbm4b:s0+s5], $0x2000, $0x38;
	[tilespmem:$0xC400] =	vst v63  }
0x1b: {  	_ =	swait.ge [sflag:s20], $0x2000  }
0x1c: {  	[sflag:s20] =	ssyncset.done $0x0  }
0x1d: {  	[sflag:s20] =	ssyncadd.s32 $0xFFFFE000  }
0x1e: {  	[tilespmem:s22], [sflag:$0x1] =	stream.linear.gather [hbm4b:s6+s5], $0x2000, $0x38;
	[tilespmem:$0xC400] =	vst v63  }
0x1f: {  	_ =	swait.ge [sflag:s20], $0x2000  }
0x20: {  	[sflag:s20] =	ssyncset.done $0x0  }
0x21: {  	[sflag:s20] =	ssyncadd.s32 $0xFFFFE000  }
0x22: {  	v2 =	vld [tilespmem:s24+$0x0];
	_ =	sdelay $0x4  }
0x23: {  	s26 =	sand.u32 $0x78, s5;
	s28 =	sand.u32 $0x1C00, s5;
	vm0 =	veq.f32 v2, $0.0e+00  }
0x24: {  	s26 =	sor.u32 s26, s28;
	v2 =	vsel vm0, $0xBF800000, v0  }
0x25: {  	[tilespmem:s26+$0x8400] =	vst v2  }
0x26: {  	[tilespmem:s26+$0x8480] =	vst v2  }
0x27: {  	[tilespmem:s26+$0x8500] =	vst v2  }
0x28: {  	[tilespmem:s26+$0x8580] =	vst v2  }
0x29: {  	[tilespmem:s26+$0x8600] =	vst v2  }
0x2a: {  	[tilespmem:s26+$0x8680] =	vst v2  }
0x2b: {  	[tilespmem:s26+$0x8700] =	vst v2  }
0x2c: {  	[tilespmem:s26+$0x8780] =	vst v2  }
0x2d: {  	[tilespmem:s26+$0xA400] =	vst v2  }
0x2e: {  	[tilespmem:s26+$0xA480] =	vst v2  }
0x2f: {  	[tilespmem:s26+$0xA500] =	vst v2  }
0x30: {  	[tilespmem:s26+$0xA580] =	vst v2  }
0x31: {  	[tilespmem:s26+$0xA600] =	vst v2  }
0x32: {  	[tilespmem:s26+$0xA680] =	vst v2  }
0x33: {  	[tilespmem:s26+$0xA700] =	vst v2  }
0x34: {  	s28 =	simm.s32 $0x4010;
	[tilespmem:s26+$0xA780] =	vst v2  }
0x35: {  	s30 =	simm.s32 $0x100;
	s29 =	simm.s32 $0x0;
	s26 =	simm.s32 $0x80;
	v2 =	vld [tilespmem:s28+$0x0]  }
.LBB2_2:
0x36: {  	p0 =	sne.s32 s30, $0x1E80;
	_ =	sdelay $0x2  }
0x37: {  	s29 =	sadd.s32 $0x10, s29  }
0x38: {  	s1 =	sand.u32 $0x1C00, s26;
	s26 =	smov.u32 s30;
	s31 =	sand.u32 $0x78, s29;
	vm0 =	veq.f32 v2, $0.0e+00  }
0x39: {  	s1 =	sor.u32 s31, s1;
	v2 =	vsel vm0, $0xBF800000, v0  }
0x3a: {  	[tilespmem:s1+$0x8400] =	vst v2  }
0x3b: {  	[tilespmem:s1+$0x8480] =	vst v2  }
0x3c: {  	[tilespmem:s1+$0x8500] =	vst v2  }
0x3d: {  	[tilespmem:s1+$0x8580] =	vst v2  }
0x3e: {  	[tilespmem:s1+$0x8600] =	vst v2  }
0x3f: {  	[tilespmem:s1+$0x8680] =	vst v2  }
0x40: {  	[tilespmem:s1+$0x8700] =	vst v2  }
0x41: {  	[tilespmem:s1+$0x8780] =	vst v2  }
0x42: {  	[tilespmem:s1+$0xA400] =	vst v2  }
0x43: {  	[tilespmem:s1+$0xA480] =	vst v2  }
0x44: {  	[tilespmem:s1+$0xA500] =	vst v2  }
0x45: {  	[tilespmem:s1+$0xA580] =	vst v2  }
.Ltmp0:
0x46: {  	[tilespmem:s1+$0xA600] =	vst v2;
	(pc) =	sbr.rel @p0 .LBB2_2-.Ltmp0, $4  }
0x47: {  	[tilespmem:s1+$0xA680] =	vst v2  }
0x48: {  	[tilespmem:s1+$0xA700] =	vst v2  }
0x49: {  	s28 =	sadd.s32 $0x10, s28;
	[tilespmem:s1+$0xA780] =	vst v2  }
0x4a: {  	s30 =	sadd.s32 $0x80, s30;
	v2 =	vld [tilespmem:s28+$0x0]  }
0x4b: {  	_ =	sdelay $0x2  }
0x4c: {  	s1 =	sadd.s32 $0x10, s29  }
0x4d: {  	s26 =	sand.u32 $0x1C00, s26;
	s1 =	sand.u32 $0x78, s1;
	vm0 =	veq.f32 v2, $0.0e+00  }
0x4e: {  	s1 =	sor.u32 s1, s26;
	v2 =	vsel vm0, $0xBF800000, v0  }
0x4f: {  	[tilespmem:s1+$0x8400] =	vst v2  }
0x50: {  	[tilespmem:s1+$0x8480] =	vst v2  }
0x51: {  	[tilespmem:s1+$0x8500] =	vst v2  }
0x52: {  	[tilespmem:s1+$0x8580] =	vst v2  }
0x53: {  	[tilespmem:s1+$0x8600] =	vst v2  }
0x54: {  	[tilespmem:s1+$0x8680] =	vst v2  }
0x55: {  	[tilespmem:s1+$0x8700] =	vst v2  }
0x56: {  	[tilespmem:s1+$0x8780] =	vst v2  }
0x57: {  	[tilespmem:s1+$0xA400] =	vst v2  }
0x58: {  	[tilespmem:s1+$0xA480] =	vst v2  }
0x59: {  	[tilespmem:s1+$0xA500] =	vst v2  }
0x5a: {  	[tilespmem:s1+$0xA580] =	vst v2  }
0x5b: {  	[tilespmem:s1+$0xA600] =	vst v2  }
0x5c: {  	[tilespmem:s1+$0xA680] =	vst v2  }
0x5d: {  	[tilespmem:s1+$0xA700] =	vst v2  }
0x5e: {  	[tilespmem:s1+$0xA780] =	vst v2  }
0x5f: {  	v2 =	vld [tilespmem:$0x43D8];
	_ =	sdelay $0x4  }
0x60: {  	vm14 =	veq.f32 v2, $0.0e+00  }
0x61: {  	v2 =	vsel vm14, $0xBF800000, v0  }
0x62: {  	[tilespmem:$0xA058] =	vst v2  }
0x63: {  	[tilespmem:$0xA0D8] =	vst v2  }
0x64: {  	[tilespmem:$0xA158] =	vst v2  }
0x65: {  	[tilespmem:$0xA1D8] =	vst v2  }
0x66: {  	[tilespmem:$0xA258] =	vst v2  }
0x67: {  	[tilespmem:$0xA2D8] =	vst v2  }
0x68: {  	[tilespmem:$0xA358] =	vst v2  }
0x69: {  	[tilespmem:$0xA3D8] =	vst v2  }
0x6a: {  	[tilespmem:$0xC058] =	vst v2  }
0x6b: {  	[tilespmem:$0xC0D8] =	vst v2  }
0x6c: {  	[tilespmem:$0xC158] =	vst v2  }
0x6d: {  	[tilespmem:$0xC1D8] =	vst v2  }
0x6e: {  	[tilespmem:$0xC258] =	vst v2  }
0x6f: {  	[tilespmem:$0xC2D8] =	vst v2  }
0x70: {  	[tilespmem:$0xC358] =	vst v2  }
0x71: {  	[tilespmem:$0xC3D8] =	vst v2  }
0x72: {  	v2 =	vld [tilespmem:s7+$0x6400];
	_ =	sdelay $0x6  }
0x73: {  	s26 =	simm.s32 $0x0  }
0x74: {  	v2 =	vld.idx.msk [tilespmem:v2+s26+$0x0], $0xffff;
	_ =	sdelay $0x6  }
0x75: {  	s31 =	simm.s32 $0x4000;
	v5 =	vld [tilespmem:s7+$0x4400];
	v4 =	vshll.u32 v2, $0x3  }
0x76: {  	v4 =	vand.u32 $0xFFFFFC00, v4;
	v3 =	vld.idx.msk [tilespmem:v2+s31+$0x0], $0xffff;
	v2 =	vand.u32 $0x7F, v2  }
0x77: {  	v2 =	vor.u32 v2, v4  }
0x78: {  	v2 =	vadd.s32 v1, v2;
	_ =	sdelay $0x2  }
0x79: {  	v3 =	vmul.f32 v5, v3;
	_ =	sdelay $0x1  }
0x7a: {  	[tilespmem:v2+s23+$0x0] =	vst.idx.add.f32.msk $0xffff, v3  }
0x7b: {  	v2 =	vld [tilespmem:s8+$0x6400];
	_ =	sdelay $0x7  }
0x7c: {  	v2 =	vld.idx.msk [tilespmem:v2+s26+$0x0], $0xffff;
	_ =	sdelay $0x6  }
0x7d: {  	v57 =	vld [tilespmem:s8+$0x4400];
	v56 =	vshll.u32 v2, $0x3  }
0x7e: {  	v4 =	vand.u32 $0xFFFFFC00, v56;
	v3 =	vld.idx.msk [tilespmem:v2+s31+$0x0], $0xffff;
	v2 =	vand.u32 $0x7F, v2  }
0x7f: {  	v2 =	vor.u32 v2, v4  }
0x80: {  	v2 =	vadd.s32 v1, v2;
	_ =	sdelay $0x2  }
0x81: {  	v3 =	vmul.f32 v57, v3;
	_ =	sdelay $0x1  }
0x82: {  	[tilespmem:v2+s23+$0x0] =	vst.idx.add.f32.msk $0xffff, v3  }
0x83: {  	v2 =	vld [tilespmem:s9+$0x6400];
	_ =	sdelay $0x7  }
0x84: {  	v2 =	vld.idx.msk [tilespmem:v2+s26+$0x0], $0xffff;
	_ =	sdelay $0x6  }
0x85: {  	v59 =	vld [tilespmem:s9+$0x4400];
	v58 =	vshll.u32 v2, $0x3  }
0x86: {  	v4 =	vand.u32 $0xFFFFFC00, v58;
	v3 =	vld.idx.msk [tilespmem:v2+s31+$0x0], $0xffff;
	v2 =	vand.u32 $0x7F, v2  }
0x87: {  	v2 =	vor.u32 v2, v4  }
0x88: {  	v2 =	vadd.s32 v1, v2;
	_ =	sdelay $0x2  }
0x89: {  	v3 =	vmul.f32 v59, v3;
	_ =	sdelay $0x1  }
0x8a: {  	[tilespmem:v2+s23+$0x0] =	vst.idx.add.f32.msk $0xffff, v3  }
0x8b: {  	v2 =	vld [tilespmem:s10+$0x6400];
	_ =	sdelay $0x7  }
0x8c: {  	v2 =	vld.idx.msk [tilespmem:v2+s26+$0x0], $0xffff;
	_ =	sdelay $0x6  }
0x8d: {  	v61 =	vld [tilespmem:s10+$0x4400];
	v60 =	vshll.u32 v2, $0x3  }
0x8e: {  	v4 =	vand.u32 $0xFFFFFC00, v60;
	v3 =	vld.idx.msk [tilespmem:v2+s31+$0x0], $0xffff;
	v2 =	vand.u32 $0x7F, v2  }
0x8f: {  	v2 =	vor.u32 v2, v4  }
0x90: {  	v2 =	vadd.s32 v1, v2;
	_ =	sdelay $0x2  }
0x91: {  	v3 =	vmul.f32 v61, v3;
	_ =	sdelay $0x1  }
0x92: {  	[tilespmem:v2+s23+$0x0] =	vst.idx.add.f32.msk $0xffff, v3  }
0x93: {  	v2 =	vld [tilespmem:s12+$0x6400];
	_ =	sdelay $0x7  }
0x94: {  	v2 =	vld.idx.msk [tilespmem:v2+s26+$0x0], $0xffff;
	_ =	sdelay $0x6  }
0x95: {  	v63 =	vld [tilespmem:s12+$0x4400];
	v62 =	vshll.u32 v2, $0x3  }
0x96: {  	v4 =	vand.u32 $0xFFFFFC00, v62;
	v3 =	vld.idx.msk [tilespmem:v2+s31+$0x0], $0xffff;
	v2 =	vand.u32 $0x7F, v2  }
0x97: {  	v2 =	vor.u32 v2, v4  }
0x98: {  	v2 =	vadd.s32 v1, v2;
	_ =	sdelay $0x2  }
0x99: {  	v3 =	vmul.f32 v63, v3;
	_ =	sdelay $0x1  }
0x9a: {  	[tilespmem:v2+s23+$0x0] =	vst.idx.add.f32.msk $0xffff, v3  }
0x9b: {  	[hbm4b:s13+s26] =	stream.linear.scatter [tilespmem:s23], [sflag:$0x1], $0x4000, $0x38;
	[tilespmem:$0xC400] =	vst v63  }
0x9c: {  	_ =	swait.ge [sflag:s20], $0x4000  }
0x9d: {  	[sflag:s20] =	ssyncset.done $0x0  }
0x9e: {  	[sflag:s20] =	ssyncadd.s32 $0xFFFFC000  }
0x9f: {  	v2 =	vld [tilespmem:s31+$0x0];
	_ =	sdelay $0x4  }
0xa0: {  	s28 =	sand.u32 $0x1C00, s26;
	s31 =	sand.u32 $0x78, s26;
	vm15 =	veq.f32 v2, $0.0e+00  }
0xa1: {  	s1 =	sor.u32 s31, s28;
	v2 =	vsel vm15, $0xBF800000, v0  }
0xa2: {  	[tilespmem:s1+$0x8400] =	vst v2  }
0xa3: {  	[tilespmem:s1+$0x8480] =	vst v2  }
0xa4: {  	[tilespmem:s1+$0x8500] =	vst v2  }
0xa5: {  	[tilespmem:s1+$0x8580] =	vst v2  }
0xa6: {  	[tilespmem:s1+$0x8600] =	vst v2  }
0xa7: {  	[tilespmem:s1+$0x8680] =	vst v2  }
0xa8: {  	[tilespmem:s1+$0x8700] =	vst v2  }
0xa9: {  	[tilespmem:s1+$0x8780] =	vst v2  }
0xaa: {  	[tilespmem:s1+$0xA400] =	vst v2  }
0xab: {  	[tilespmem:s1+$0xA480] =	vst v2  }
0xac: {  	[tilespmem:s1+$0xA500] =	vst v2  }
0xad: {  	[tilespmem:s1+$0xA580] =	vst v2  }
0xae: {  	[tilespmem:s1+$0xA600] =	vst v2  }
0xaf: {  	[tilespmem:s1+$0xA680] =	vst v2  }
0xb0: {  	[tilespmem:s1+$0xA700] =	vst v2  }
0xb1: {  	s29 =	simm.s32 $0x4010;
	[tilespmem:s1+$0xA780] =	vst v2  }
0xb2: {  	s30 =	simm.s32 $0x100;
	s28 =	simm.s32 $0x80;
	v2 =	vld [tilespmem:s29+$0x0]  }
.LBB2_4:
0xb3: {  	p0 =	sne.s32 s30, $0x1E80;
	_ =	sdelay $0x2  }
0xb4: {  	s26 =	sadd.s32 $0x10, s26  }
0xb5: {  	s31 =	sand.u32 $0x1C00, s28;
	s28 =	smov.u32 s30;
	s1 =	sand.u32 $0x78, s26;
	vm0 =	veq.f32 v2, $0.0e+00  }
0xb6: {  	s1 =	sor.u32 s1, s31;
	v2 =	vsel vm0, $0xBF800000, v0  }
0xb7: {  	[tilespmem:s1+$0x8400] =	vst v2  }
0xb8: {  	[tilespmem:s1+$0x8480] =	vst v2  }
0xb9: {  	[tilespmem:s1+$0x8500] =	vst v2  }
0xba: {  	[tilespmem:s1+$0x8580] =	vst v2  }
0xbb: {  	[tilespmem:s1+$0x8600] =	vst v2  }
0xbc: {  	[tilespmem:s1+$0x8680] =	vst v2  }
0xbd: {  	[tilespmem:s1+$0x8700] =	vst v2  }
0xbe: {  	[tilespmem:s1+$0x8780] =	vst v2  }
0xbf: {  	[tilespmem:s1+$0xA400] =	vst v2  }
0xc0: {  	[tilespmem:s1+$0xA480] =	vst v2  }
0xc1: {  	[tilespmem:s1+$0xA500] =	vst v2  }
0xc2: {  	[tilespmem:s1+$0xA580] =	vst v2  }
.Ltmp1:
0xc3: {  	[tilespmem:s1+$0xA600] =	vst v2;
	(pc) =	sbr.rel @p0 .LBB2_4-.Ltmp1, $4  }
0xc4: {  	[tilespmem:s1+$0xA680] =	vst v2  }
0xc5: {  	[tilespmem:s1+$0xA700] =	vst v2  }
0xc6: {  	s29 =	sadd.s32 $0x10, s29;
	[tilespmem:s1+$0xA780] =	vst v2  }
0xc7: {  	s30 =	sadd.s32 $0x80, s30;
	v2 =	vld [tilespmem:s29+$0x0]  }
0xc8: {  	_ =	sdelay $0x2  }
0xc9: {  	s1 =	sadd.s32 $0x10, s26  }
0xca: {  	s31 =	sand.u32 $0x1C00, s28;
	s1 =	sand.u32 $0x78, s1;
	vm0 =	veq.f32 v2, $0.0e+00  }
0xcb: {  	s1 =	sor.u32 s1, s31;
	v2 =	vsel vm0, $0xBF800000, v0  }
0xcc: {  	[tilespmem:s1+$0x8400] =	vst v2  }
0xcd: {  	[tilespmem:s1+$0x8480] =	vst v2  }
0xce: {  	[tilespmem:s1+$0x8500] =	vst v2  }
0xcf: {  	[tilespmem:s1+$0x8580] =	vst v2  }
0xd0: {  	[tilespmem:s1+$0x8600] =	vst v2  }
0xd1: {  	[tilespmem:s1+$0x8680] =	vst v2  }
0xd2: {  	[tilespmem:s1+$0x8700] =	vst v2  }
0xd3: {  	[tilespmem:s1+$0x8780] =	vst v2  }
0xd4: {  	[tilespmem:s1+$0xA400] =	vst v2  }
0xd5: {  	[tilespmem:s1+$0xA480] =	vst v2  }
0xd6: {  	[tilespmem:s1+$0xA500] =	vst v2  }
0xd7: {  	[tilespmem:s1+$0xA580] =	vst v2  }
0xd8: {  	[tilespmem:s1+$0xA600] =	vst v2  }
0xd9: {  	[tilespmem:s1+$0xA680] =	vst v2  }
0xda: {  	[tilespmem:s1+$0xA700] =	vst v2  }
0xdb: {  	[tilespmem:s1+$0xA780] =	vst v2  }
0xdc: {  	v2 =	vld [tilespmem:$0x43D8];
	_ =	sdelay $0x4  }
0xdd: {  	vm15 =	veq.f32 v2, $0.0e+00  }
0xde: {  	v2 =	vsel vm15, $0xBF800000, v0  }
0xdf: {  	[tilespmem:$0xA058] =	vst v2  }
0xe0: {  	[tilespmem:$0xA0D8] =	vst v2  }
0xe1: {  	[tilespmem:$0xA158] =	vst v2  }
0xe2: {  	[tilespmem:$0xA1D8] =	vst v2  }
0xe3: {  	[tilespmem:$0xA258] =	vst v2  }
0xe4: {  	[tilespmem:$0xA2D8] =	vst v2  }
0xe5: {  	[tilespmem:$0xA358] =	vst v2  }
0xe6: {  	[tilespmem:$0xA3D8] =	vst v2  }
0xe7: {  	[tilespmem:$0xC058] =	vst v2  }
0xe8: {  	[tilespmem:$0xC0D8] =	vst v2  }
0xe9: {  	[tilespmem:$0xC158] =	vst v2  }
0xea: {  	[tilespmem:$0xC1D8] =	vst v2  }
0xeb: {  	[tilespmem:$0xC258] =	vst v2  }
0xec: {  	[tilespmem:$0xC2D8] =	vst v2  }
0xed: {  	[tilespmem:$0xC358] =	vst v2  }
0xee: {  	[tilespmem:$0xC3D8] =	vst v2  }
0xef: {  	v2 =	vld [tilespmem:s11+$0x6400];
	_ =	sdelay $0x7  }
0xf0: {  	v2 =	vld.idx.msk [tilespmem:v2+s5+$0x0], $0xffff;
	_ =	sdelay $0x6  }
0xf1: {  	v5 =	vld [tilespmem:s11+$0x4400];
	v4 =	vshll.u32 v2, $0x3  }
0xf2: {  	v4 =	vand.u32 $0xFFFFFC00, v4;
	v3 =	vld.idx.msk [tilespmem:v2+s24+$0x0], $0xffff;
	v2 =	vand.u32 $0x7F, v2  }
0xf3: {  	v2 =	vor.u32 v2, v4  }
0xf4: {  	v2 =	vadd.s32 v1, v2;
	_ =	sdelay $0x2  }
0xf5: {  	v3 =	vmul.f32 v5, v3;
	_ =	sdelay $0x1  }
0xf6: {  	[tilespmem:v2+s23+$0x0] =	vst.idx.add.f32.msk $0xffff, v3  }
0xf7: {  	v2 =	vld [tilespmem:s14+$0x6400];
	_ =	sdelay $0x7  }
0xf8: {  	v2 =	vld.idx.msk [tilespmem:v2+s5+$0x0], $0xffff;
	_ =	sdelay $0x6  }
0xf9: {  	v57 =	vld [tilespmem:s14+$0x4400];
	v56 =	vshll.u32 v2, $0x3  }
0xfa: {  	v4 =	vand.u32 $0xFFFFFC00, v56;
	v3 =	vld.idx.msk [tilespmem:v2+s24+$0x0], $0xffff;
	v2 =	vand.u32 $0x7F, v2  }
0xfb: {  	v2 =	vor.u32 v2, v4  }
0xfc: {  	v2 =	vadd.s32 v1, v2;
	_ =	sdelay $0x2  }
0xfd: {  	v3 =	vmul.f32 v57, v3;
	_ =	sdelay $0x1  }
0xfe: {  	[tilespmem:v2+s23+$0x0] =	vst.idx.add.f32.msk $0xffff, v3  }
0xff: {  	v2 =	vld [tilespmem:s15+$0x6400];
	_ =	sdelay $0x7  }
0x100: {  	v2 =	vld.idx.msk [tilespmem:v2+s5+$0x0], $0xffff;
	_ =	sdelay $0x6  }
0x101: {  	v59 =	vld [tilespmem:s15+$0x4400];
	v58 =	vshll.u32 v2, $0x3  }
0x102: {  	v4 =	vand.u32 $0xFFFFFC00, v58;
	v3 =	vld.idx.msk [tilespmem:v2+s24+$0x0], $0xffff;
	v2 =	vand.u32 $0x7F, v2  }
0x103: {  	v2 =	vor.u32 v2, v4  }
0x104: {  	v2 =	vadd.s32 v1, v2;
	_ =	sdelay $0x2  }
0x105: {  	v3 =	vmul.f32 v59, v3;
	_ =	sdelay $0x1  }
0x106: {  	[tilespmem:v2+s23+$0x0] =	vst.idx.add.f32.msk $0xffff, v3  }
0x107: {  	v2 =	vld [tilespmem:s16+$0x6400];
	_ =	sdelay $0x7  }
0x108: {  	v2 =	vld.idx.msk [tilespmem:v2+s5+$0x0], $0xffff;
	_ =	sdelay $0x6  }
0x109: {  	v61 =	vld [tilespmem:s16+$0x4400];
	v60 =	vshll.u32 v2, $0x3  }
0x10a: {  	v4 =	vand.u32 $0xFFFFFC00, v60;
	v3 =	vld.idx.msk [tilespmem:v2+s24+$0x0], $0xffff;
	v2 =	vand.u32 $0x7F, v2  }
0x10b: {  	v2 =	vor.u32 v2, v4  }
0x10c: {  	v2 =	vadd.s32 v1, v2;
	_ =	sdelay $0x2  }
0x10d: {  	v3 =	vmul.f32 v61, v3;
	_ =	sdelay $0x1  }
0x10e: {  	[tilespmem:v2+s23+$0x0] =	vst.idx.add.f32.msk $0xffff, v3  }
0x10f: {  	v2 =	vld [tilespmem:s17+$0x6400];
	_ =	sdelay $0x7  }
0x110: {  	v2 =	vld.idx.msk [tilespmem:v2+s5+$0x0], $0xffff;
	_ =	sdelay $0x6  }
0x111: {  	v63 =	vld [tilespmem:s17+$0x4400];
	v62 =	vshll.u32 v2, $0x3  }
0x112: {  	v4 =	vand.u32 $0xFFFFFC00, v62;
	v3 =	vld.idx.msk [tilespmem:v2+s24+$0x0], $0xffff;
	v2 =	vand.u32 $0x7F, v2  }
0x113: {  	v2 =	vor.u32 v2, v4  }
0x114: {  	v2 =	vadd.s32 v1, v2;
	_ =	sdelay $0x2  }
0x115: {  	s25 =	sadd.s32 $0x1, s25;
	v3 =	vmul.f32 v63, v3  }
0x116: {  	p0 =	sne.s32 s25, s19  }
.Ltmp2:
0x117: {  	[tilespmem:v2+s23+$0x0] =	vst.idx.add.f32.msk $0xffff, v3;
	(pc) =	sbr.rel @p0 .LBB2_1-.Ltmp2, $4  }
0x118: {  	[hbm4b:s18+s5] =	stream.linear.scatter [tilespmem:s23], [sflag:$0x1], $0x4000, $0x38;
	[tilespmem:$0xC400] =	vst v63  }
0x119: {  	_ =	swait.ge [sflag:s20], $0x4000  }
0x11a: {  	[sflag:s20] =	ssyncset.done $0x0  }
0x11b: {  	[sflag:s20] =	ssyncadd.s32 $0xFFFFC000  }
0x11c: {  	_ =	sfence.sel $0x180000  }
0x11d: {  	[bflag:$0x0] =	sbarrier.arrive $0xFFFF  }
0x11e: {  	_ =	strace $0x90000047  }
0x11f: {  	[bflag:$0x2] =	sbarrier.arrive $0xFFFF  }
0x120: {  	p0 =	sne.s32 s4, $0x0;
	s0 =	rddreg [dreg:$0x4]  }
0x121: {  	s0 =	sadd.s32 @!p0 $0x100000, s0  }
0x122: {  	[sflag:s0] =	ssyncadd.tile.s32 @!p0 $0x1;
	_ =	shalt  }
.Lfunc_end2:
_tile_overlayer_lowered:
.L_overlay_start_2:
0x123: {  	(tag) =	ssettag $0x2  }
0x124: {  	s0 =	rddreg [dreg:$0x0];
	s2 =	stileid.u32  }
0x125: {  	s1 =	rddreg [dreg:$0x1];
	p0 =	sne.s32 s2, $0x0  }
0x126: {  	s3 =	rddreg [dreg:$0x2];
	[bflag:$0x3] =	sbarrier.arrive $0xFFFF;
	s2 =	simm.s32 @!p0 $0x1C01  }
0x127: {  	[timem:s3], [sflag:s2] =	dma.local @!p0 [hbm:s0], s1  }
0x128: {  	s0 =	simm.s32 @!p0 $0x1  }
0x129: {  	_ =	swait.ge @!p0 [sflag:s0], s1  }
0x12a: {  	s1 =	ssub.s32 @!p0 $0x0, s1;
	[sflag:s0] =	ssyncset.done @!p0 $0x0  }
0x12b: {  	[sflag:s0] =	ssyncadd.s32 @!p0 s1  }
0x12c: {  	[bflag:$0x3] =	sbarrier.arrive $0xFFFF  }
0x12d: {  	_ =	shalt  }

</sc_bundles>
